<compile_context>
chip_gen: v7x
topology: tpu7x:2x2x1
jax: 0.10.2.dev20260603
libtpu: 0.0.44.dev20260713+nightly
codegen_flags: <defaults>
</compile_context>

<pallas_src>
import jax
import jax.numpy as jnp
from jax import lax
from jax.experimental import pallas as pl
from jax.experimental.pallas import tpu as pltpu
from jax.experimental.pallas import tpu_sc as plsc

N = 10000
NP = 10240
D = 128
E = 320000
NC, NS = 2, 16
NW = NC * NS
CH = 128
EPT = 10240
EP = NW * EPT
RPS = NP // NS
BM = 512
NB = NP // BM

_SC_MESH = dict(core_axis_name="c", subcore_axis_name="s")


def _hist_body(dst_hbm, zeros_hbm, deg_out, didx_v, hist_v, tmp_v, acc_v, deg_sh):
    cid = lax.axis_index("c")
    sid = lax.axis_index("s")
    wid = cid * NS + sid
    pltpu.sync_copy(zeros_hbm, hist_v)
    base = pl.multiple_of(wid * EPT, EPT)
    pltpu.sync_copy(dst_hbm.at[pl.ds(base, EPT)], didx_v)
    ones16 = jnp.ones((16,), jnp.float32)

    def step(j, c):
        iv = didx_v[pl.ds(j * 16, 16)]
        plsc.addupdate_scatter(hist_v, [iv], ones16)
        return c

    lax.fori_loop(0, EPT // 16, step, 0)
    pltpu.sync_copy(hist_v, deg_sh.at[sid])
    plsc.subcore_barrier()
    row0 = pl.multiple_of(sid * RPS, RPS)
    pltpu.sync_copy(deg_sh.at[0, pl.ds(row0, RPS)], acc_v)

    def tsum(t, c):
        pltpu.sync_copy(deg_sh.at[t, pl.ds(row0, RPS)], tmp_v)

        def vadd(v, c2):
            sl = pl.ds(v * 16, 16)
            acc_v[sl] = acc_v[sl] + tmp_v[sl]
            return c2

        lax.fori_loop(0, RPS // 16, vadd, 0)
        return c

    lax.fori_loop(1, NS, tsum, 0)
    pltpu.sync_copy(acc_v, deg_out.at[cid, pl.ds(row0, RPS)])


def _sc_hist(dst_p, zeros_c):
    k = pl.kernel(
        _hist_body,
        out_type=jax.ShapeDtypeStruct((NC, NP), jnp.float32),
        mesh=plsc.VectorSubcoreMesh(**_SC_MESH),
        compiler_params=pltpu.CompilerParams(needs_layout_passes=False),
        scratch_types=[
            pltpu.VMEM((EPT,), jnp.int32),
            pltpu.VMEM((NP,), jnp.float32),
            pltpu.VMEM((RPS,), jnp.float32),
            pltpu.VMEM((RPS,), jnp.float32),
            pltpu.VMEM_SHARED((NS, NP), jnp.float32),
        ],
    )
    return k(dst_p, zeros_c)


def _agg_body(g_hbm, src_hbm, dst_hbm, zeros_hbm, acc_out,
              sblk_v, dblk_v, rows_a, rows_b, acc_sh, sem_a, sem_b):
    cid = lax.axis_index("c")
    sid = lax.axis_index("s")
    wid = cid * NS + sid
    row0 = pl.multiple_of(sid * RPS, RPS)
    for j in range(RPS // CH):
        pltpu.sync_copy(zeros_hbm, acc_sh.at[pl.ds(row0 + j * CH, CH)])
    plsc.subcore_barrier()

    def seg(si, c0):
        pltpu.sync_copy(src_hbm.at[wid, pl.ds(si * ACPS, ACPS)], sblk_v)
        pltpu.sync_copy(dst_hbm.at[wid, pl.ds(si * ACPS, ACPS)], dblk_v)
        pltpu.async_copy(g_hbm.at[sblk_v.at[0]], rows_a, sem_a)

        def duo(t, c):
            pltpu.async_copy(g_hbm.at[sblk_v.at[2 * t + 1]], rows_b, sem_b)
            pltpu.make_async_copy(g_hbm.at[sblk_v.at[2 * t]], rows_a, sem_a).wait()
            pltpu.sync_copy(rows_a, acc_sh.at[dblk_v.at[2 * t]], add=True)

            @pl.when(t < ACPS // 2 - 1)
            def _():
                pltpu.async_copy(g_hbm.at[sblk_v.at[2 * t + 2]], rows_a, sem_a)

            pltpu.make_async_copy(g_hbm.at[sblk_v.at[2 * t + 1]], rows_b, sem_b).wait()
            pltpu.sync_copy(rows_b, acc_sh.at[dblk_v.at[2 * t + 1]], add=True)
            return c

        lax.fori_loop(0, ACPS // 2, duo, 0)
        return c0

    lax.fori_loop(0, ANCH // ACPS, seg, 0)
    plsc.subcore_barrier()
    pltpu.sync_copy(acc_sh.at[pl.ds(row0, RPS)], acc_out.at[cid, pl.ds(row0, RPS)])


ACH = 128
ANCH = EPT // ACH
ACPS = ANCH // 2


def _sc_agg(g, src_p, dst_p, zeros2d):
    src3 = jnp.reshape(src_p, (NW, ANCH, ACH))
    dst3 = jnp.reshape(dst_p, (NW, ANCH, ACH))
    k = pl.kernel(
        _agg_body,
        out_type=jax.ShapeDtypeStruct((NC, NP, D), jnp.float32),
        mesh=plsc.VectorSubcoreMesh(**_SC_MESH),
        scratch_types=[
            pltpu.VMEM((ACPS, ACH), jnp.int32),
            pltpu.VMEM((ACPS, ACH), jnp.int32),
            pltpu.VMEM((ACH, D), jnp.float32),
            pltpu.VMEM((ACH, D), jnp.float32),
            pltpu.VMEM_SHARED((NP, D), jnp.float32),
            pltpu.SemaphoreType.DMA,
            pltpu.SemaphoreType.DMA,
        ],
    )
    return k(g, src3, dst3, zeros2d)


def _mm_body(x_ref, w_ref, dp_ref, g_ref):
    h = jnp.dot(x_ref[...], w_ref[...], preferred_element_type=jnp.float32)
    s = dp_ref[0] + dp_ref[1] + 1.0
    g_ref[...] = h * lax.rsqrt(s)


def _tc_matmul(x, W, deg_parts):
    return pl.pallas_call(
        _mm_body,
        grid=(NB,),
        in_specs=[
            pl.BlockSpec((BM, D), lambda i: (i, 0)),
            pl.BlockSpec((D, D), lambda i: (0, 0)),
            pl.BlockSpec((NC, BM, 1), lambda i: (0, i, 0)),
        ],
        out_specs=pl.BlockSpec((BM, D), lambda i: (i, 0)),
        out_shape=jax.ShapeDtypeStruct((N, D), jnp.float32),
    )(x, W, deg_parts)


def _ep_body(ap_ref, g_ref, dp_ref, b_ref, gam_ref, bet_ref, o_ref, u_sc, st_sc):
    i = pl.program_id(0)
    blk = lax.rem(i, NB)
    row = pl.multiple_of(blk * BM, BM)

    @pl.when(i == 0)
    def _():
        st_sc[...] = jnp.zeros((8, D), jnp.float32)

    @pl.when(i < NB)
    def _():
        s = dp_ref[0] + dp_ref[1] + 1.0
        dis = lax.rsqrt(s)
        acc = ap_ref[0] + ap_ref[1]
        u = dis * (acc + g_ref[...]) + b_ref[...]
        u_sc[pl.ds(row, BM), :] = u
        rid = blk * BM + lax.broadcasted_iota(jnp.int32, (BM, 1), 0)
        um = jnp.where(rid < N, u, 0.0)
        st_sc[0:1, :] = st_sc[0:1, :] + jnp.sum(um, axis=0)[None, :]
        st_sc[1:2, :] = st_sc[1:2, :] + jnp.sum(um * um, axis=0)[None, :]

    @pl.when(i >= NB)
    def _():
        inv_n = 1.0 / N
        mean = st_sc[0:1, :] * inv_n
        ex2 = st_sc[1:2, :] * inv_n
        var = ex2 - mean * mean
        scale = lax.rsqrt(var + 1e-5) * gam_ref[...]
        u = u_sc[pl.ds(row, BM), :]
        o_ref[...] = jnp.maximum((u - mean) * scale + bet_ref[...], 0.0)


def _tc_epilogue(acc_parts, g, deg_parts, b2, gamma2, beta2):
    return pl.pallas_call(
        _ep_body,
        grid=(2 * NB,),
        in_specs=[
            pl.BlockSpec((NC, BM, D), lambda i: (0, i % NB, 0)),
            pl.BlockSpec((BM, D), lambda i: (i % NB, 0)),
            pl.BlockSpec((NC, BM, 1), lambda i: (0, i % NB, 0)),
            pl.BlockSpec((1, D), lambda i: (0, 0)),
            pl.BlockSpec((1, D), lambda i: (0, 0)),
            pl.BlockSpec((1, D), lambda i: (0, 0)),
        ],
        out_specs=pl.BlockSpec((BM, D), lambda i: (i % NB, 0)),
        out_shape=jax.ShapeDtypeStruct((N, D), jnp.float32),
        scratch_shapes=[
            pltpu.VMEM((NP, D), jnp.float32),
            pltpu.VMEM((8, D), jnp.float32),
        ],
    )(acc_parts, g, deg_parts, b2, gamma2, beta2)


def kernel(x, edge_index, W, b, gamma, beta):
    src = edge_index[0].astype(jnp.int32)
    dst = edge_index[1].astype(jnp.int32)
    pad = EP - E
    src_p = jnp.concatenate([src, jnp.zeros((pad,), jnp.int32)])
    dst_p = jnp.concatenate([dst, jnp.full((pad,), N, jnp.int32)])

    zeros_np = jnp.zeros((NP,), jnp.float32)
    zeros2d = jnp.zeros((CH, D), jnp.float32)

    deg_parts = _sc_hist(dst_p, zeros_np)
    deg_parts = jnp.reshape(deg_parts, (NC, NP, 1))
    g = _tc_matmul(x, W, deg_parts)
    acc_parts = _sc_agg(g, src_p, dst_p, zeros2d)
    b2 = jnp.reshape(b, (1, D))
    gamma2 = jnp.reshape(gamma, (1, D))
    beta2 = jnp.reshape(beta, (1, D))
    return _tc_epilogue(acc_parts, g, deg_parts, b2, gamma2, beta2)

# --- scband reference (transcript-rebuilt; emitter-appended) ---
"""Pipeline reference for scband-graph-temporal-block-29437705847123 (READ-ONLY COPY).

The authoritative reference and input builder live on the scoring server;
editing this copy changes nothing except your own understanding.
"""

import jax, jax.numpy as jnp
import numpy as np

N_NODES = 10000
N_EDGES = 320000
IN_DIM = 128
OUT_DIM = 128


def setup_inputs(seed: int = 0) -> dict:
    key = jax.random.key(seed)
    k1, k2, k3, k4 = jax.random.split(key, 4)
    x = jax.random.normal(k1, (N_NODES, IN_DIM), dtype=jnp.float32)
    edge_index = jax.random.randint(k2, (2, N_EDGES), 0, N_NODES, dtype=jnp.int64)
    # GCNConv parameters (glorot weight, zero bias as in PyG defaults)
    limit = float(np.sqrt(6.0 / (IN_DIM + OUT_DIM)))
    W = jax.random.uniform(k3, (IN_DIM, OUT_DIM), minval=-limit, maxval=limit, dtype=jnp.float32)
    b = jnp.zeros((OUT_DIM,), dtype=jnp.float32)
    # BatchNorm1d affine parameters
    gamma = jnp.ones((OUT_DIM,), dtype=jnp.float32)
    beta = jnp.zeros((OUT_DIM,), dtype=jnp.float32)
    return {"x": x, "edge_index": edge_index, "W": W, "b": b, "gamma": gamma, "beta": beta}


def reference(x, edge_index, W, b, gamma, beta):
    N = x.shape[0]
    # --- GCNConv (PyG semantics): add self-loops, symmetric norm, linear, scatter-add ---
    loop = jnp.arange(N, dtype=edge_index.dtype)
    src = jnp.concatenate([edge_index[0], loop])
    dst = jnp.concatenate([edge_index[1], loop])
    ew = jnp.ones(src.shape[0], dtype=jnp.float32)
    deg = jnp.zeros((N,), dtype=jnp.float32).at[dst].add(ew)
    deg_inv_sqrt = jnp.where(deg > 0, deg ** -0.5, 0.0)
    norm = deg_inv_sqrt[src] * ew * deg_inv_sqrt[dst]
    h = x @ W
    msg = jnp.take(h, src, axis=0) * norm[:, None]
    out = jnp.zeros((N, h.shape[1]), dtype=h.dtype).at[dst].add(msg)
    out = out + b
    # --- BatchNorm1d (training mode: batch statistics, biased variance) ---
    mean = jnp.mean(out, axis=0)
    var = jnp.mean((out - mean) ** 2, axis=0)
    out = (out - mean) / jnp.sqrt(var + 1e-5) * gamma + beta
    # --- ReLU ---
    out = jax.nn.relu(out)
    # --- Dropout: deterministic reference (identity / eval behavior) ---
    return out

if __name__ == "__main__":
    import jax
    _d = setup_inputs()
    print(jax.jit(kernel)(*tuple(_d.values())))

</pallas_src>

<mosaic_0001>
#map = affine_map<(d0, d1) -> (0)>
#map1 = affine_map<(d0, d1) -> (0, 0)>
module attributes {stable_mosaic.version = 14 : i64} {
  func.func @_hist_body(%arg0: i32, %arg1: i32, %arg2: memref<327680xi32, #tpu.memory_space<hbm>>, %arg3: memref<10240xf32, #tpu.memory_space<hbm>>, %arg4: memref<2x10240xf32, #tpu.memory_space<hbm>>, %arg5: memref<10240xi32, #tpu.memory_space<vmem>>, %arg6: memref<10240xf32, #tpu.memory_space<vmem>>, %arg7: memref<640xf32, #tpu.memory_space<vmem>>, %arg8: memref<640xf32, #tpu.memory_space<vmem>>, %arg9: memref<16x10240xf32, #tpu.memory_space<vmem_shared>>) attributes {dimension_semantics = [#tpu.dimension_semantics<core_parallel>, #tpu.dimension_semantics<subcore_parallel>], iteration_bounds = array<i64: 2, 16>, scalar_prefetch = 0 : i64, scratch_operands = 5 : i64, tpu.core_type = #tpu.core_type<sc_vector_subcore>, window_params = [{transform_indices = #map}, {transform_indices = #map}, {transform_indices = #map1}]} {
    %mul3A = arith.constant 16 : i32
    %mul3A_0 = arith.muli %arg0, %mul3A : i32
    %add3A = arith.addi %mul3A_0, %arg1 : i32
    "tpu.region"() ({
      %run_scoped3A_18 = tpu.sem_alloc : memref<!tpu.dma_semaphore, #tpu.memory_space<semaphore_mem>>
      tpu.enqueue_dma source(%arg3 : memref<10240xf32, #tpu.memory_space<hbm>>) target(%arg6 : memref<10240xf32, #tpu.memory_space<vmem>>) target_semaphore(%run_scoped3A_18 : memref<!tpu.dma_semaphore, #tpu.memory_space<semaphore_mem>>)
      tpu.wait_dma2 semaphore(%run_scoped3A_18 : memref<!tpu.dma_semaphore, #tpu.memory_space<semaphore_mem>>) src(%arg3 : memref<10240xf32, #tpu.memory_space<hbm>>) dst(%arg6 : memref<10240xf32, #tpu.memory_space<vmem>>)
      tpu.yield
    }) : () -> ()
    %mul3A_1 = arith.constant 10240 : i32
    %mul3A_2 = arith.muli %add3A, %mul3A_1 : i32
    %multiple_of3A = tpu.assume_multiple %mul3A_2, 10240 : i32
    "tpu.region"() ({
      %run_scoped3A_18 = tpu.sem_alloc : memref<!tpu.dma_semaphore, #tpu.memory_space<semaphore_mem>>
      %dma_start3A = tpu.memref_slice %arg2[%multiple_of3A] : memref<327680xi32, #tpu.memory_space<hbm>> -> memref<10240xi32, #tpu.memory_space<hbm>>
      %dma_start3A_19 = tpu.memref_slice %arg2[%multiple_of3A] : memref<327680xi32, #tpu.memory_space<hbm>> -> memref<10240xi32, #tpu.memory_space<hbm>>
      tpu.enqueue_dma source(%dma_start3A_19 : memref<10240xi32, #tpu.memory_space<hbm>>) target(%arg5 : memref<10240xi32, #tpu.memory_space<vmem>>) target_semaphore(%run_scoped3A_18 : memref<!tpu.dma_semaphore, #tpu.memory_space<semaphore_mem>>)
      %dma_wait3A = tpu.memref_slice %arg2[%multiple_of3A] : memref<327680xi32, #tpu.memory_space<hbm>> -> memref<10240xi32, #tpu.memory_space<hbm>>
      %dma_wait3A_20 = tpu.memref_slice %arg2[%multiple_of3A] : memref<327680xi32, #tpu.memory_space<hbm>> -> memref<10240xi32, #tpu.memory_space<hbm>>
      tpu.wait_dma2 semaphore(%run_scoped3A_18 : memref<!tpu.dma_semaphore, #tpu.memory_space<semaphore_mem>>) src(%dma_wait3A_20 : memref<10240xi32, #tpu.memory_space<hbm>>) dst(%arg5 : memref<10240xi32, #tpu.memory_space<vmem>>)
      tpu.yield
    }) : () -> ()
    %broadcast_in_dim3A = arith.constant 1.000000e+00 : f32
    %broadcast_in_dim3A_3 = vector.broadcast %broadcast_in_dim3A : f32 to vector<16xf32>
    %scan3A = arith.constant 0 : i32
    %scan3A_4 = arith.constant 0 : i32
    %scan3A_5 = arith.constant 640 : i32
    %scan3A_6 = arith.addi %scan3A_4, %scan3A_5 : i32
    %scan3A_7 = arith.constant 1 : i32
    scf.for %scan3A_18 = %scan3A_4 to %scan3A_6 step %scan3A_7  : i32 {
      %mul3A_19 = arith.constant 16 : i32
      %mul3A_20 = arith.muli %scan3A_18, %mul3A_19 : i32
      %get3A = arith.index_cast %mul3A_20 : i32 to index
      %get3A_21 = tpu.vector_load %arg5[%get3A] {strides = array<i32>} : memref<10240xi32, #tpu.memory_space<vmem>>, vector<16xi32>,
      tpu.vector_store_idx %arg6[%get3A_21], %broadcast_in_dim3A_3 {add = true} : memref<10240xf32, #tpu.memory_space<vmem>>[vector<16xi32>], vector<16xf32>,
    }
    %scan3A_8 = arith.constant 640 : i32
    "tpu.region"() ({
      %run_scoped3A_18 = tpu.sem_alloc : memref<!tpu.dma_semaphore, #tpu.memory_space<semaphore_mem>>
      %dma_start3A = arith.constant 0 : i32
      %dma_start3A_19 = tpu.memref_slice %arg9[%arg1, %dma_start3A] : memref<16x10240xf32, #tpu.memory_space<vmem_shared>> -> memref<1x10240xf32, #tpu.memory_space<vmem_shared>>
      %dma_start3A_20 = tpu.memref_squeeze %dma_start3A_19 : memref<1x10240xf32, #tpu.memory_space<vmem_shared>> -> memref<10240xf32, #tpu.memory_space<vmem_shared>>
      %dma_start3A_21 = arith.constant 0 : i32
      %dma_start3A_22 = tpu.memref_slice %arg9[%arg1, %dma_start3A_21] : memref<16x10240xf32, #tpu.memory_space<vmem_shared>> -> memref<1x10240xf32, #tpu.memory_space<vmem_shared>>
      %dma_start3A_23 = tpu.memref_squeeze %dma_start3A_22 : memref<1x10240xf32, #tpu.memory_space<vmem_shared>> -> memref<10240xf32, #tpu.memory_space<vmem_shared>>
      tpu.enqueue_dma source(%arg6 : memref<10240xf32, #tpu.memory_space<vmem>>) target(%dma_start3A_23 : memref<10240xf32, #tpu.memory_space<vmem_shared>>) target_semaphore(%run_scoped3A_18 : memref<!tpu.dma_semaphore, #tpu.memory_space<semaphore_mem>>)
      %dma_wait3A = arith.constant 0 : i32
      %dma_wait3A_24 = tpu.memref_slice %arg9[%arg1, %dma_wait3A] : memref<16x10240xf32, #tpu.memory_space<vmem_shared>> -> memref<1x10240xf32, #tpu.memory_space<vmem_shared>>
      %dma_wait3A_25 = tpu.memref_squeeze %dma_wait3A_24 : memref<1x10240xf32, #tpu.memory_space<vmem_shared>> -> memref<10240xf32, #tpu.memory_space<vmem_shared>>
      %dma_wait3A_26 = arith.constant 0 : i32
      %dma_wait3A_27 = tpu.memref_slice %arg9[%arg1, %dma_wait3A_26] : memref<16x10240xf32, #tpu.memory_space<vmem_shared>> -> memref<1x10240xf32, #tpu.memory_space<vmem_shared>>
      %dma_wait3A_28 = tpu.memref_squeeze %dma_wait3A_27 : memref<1x10240xf32, #tpu.memory_space<vmem_shared>> -> memref<10240xf32, #tpu.memory_space<vmem_shared>>
      tpu.wait_dma2 semaphore(%run_scoped3A_18 : memref<!tpu.dma_semaphore, #tpu.memory_space<semaphore_mem>>) src(%arg6 : memref<10240xf32, #tpu.memory_space<vmem>>) dst(%dma_wait3A_28 : memref<10240xf32, #tpu.memory_space<vmem_shared>>)
      tpu.yield
    }) : () -> ()
    %barrier3A = arith.constant 0 : index
    tpu.barrier barrier_id(%barrier3A)
    %mul3A_9 = arith.constant 640 : i32
    %mul3A_10 = arith.muli %arg1, %mul3A_9 : i32
    %multiple_of3A_11 = tpu.assume_multiple %mul3A_10, 640 : i32
    %run_scoped3A = arith.constant 0 : i32
    "tpu.region"() ({
      %run_scoped3A_18 = tpu.sem_alloc : memref<!tpu.dma_semaphore, #tpu.memory_space<semaphore_mem>>
      %dma_start3A = tpu.memref_slice %arg9[%run_scoped3A, %multiple_of3A_11] : memref<16x10240xf32, #tpu.memory_space<vmem_shared>> -> memref<1x640xf32, #tpu.memory_space<vmem_shared>>
      %dma_start3A_19 = tpu.memref_squeeze %dma_start3A : memref<1x640xf32, #tpu.memory_space<vmem_shared>> -> memref<640xf32, #tpu.memory_space<vmem_shared>>
      %dma_start3A_20 = tpu.memref_slice %arg9[%run_scoped3A, %multiple_of3A_11] : memref<16x10240xf32, #tpu.memory_space<vmem_shared>> -> memref<1x640xf32, #tpu.memory_space<vmem_shared>>
      %dma_start3A_21 = tpu.memref_squeeze %dma_start3A_20 : memref<1x640xf32, #tpu.memory_space<vmem_shared>> -> memref<640xf32, #tpu.memory_space<vmem_shared>>
      tpu.enqueue_dma source(%dma_start3A_21 : memref<640xf32, #tpu.memory_space<vmem_shared>>) target(%arg8 : memref<640xf32, #tpu.memory_space<vmem>>) target_semaphore(%run_scoped3A_18 : memref<!tpu.dma_semaphore, #tpu.memory_space<semaphore_mem>>)
      %dma_wait3A = tpu.memref_slice %arg9[%run_scoped3A, %multiple_of3A_11] : memref<16x10240xf32, #tpu.memory_space<vmem_shared>> -> memref<1x640xf32, #tpu.memory_space<vmem_shared>>
      %dma_wait3A_22 = tpu.memref_squeeze %dma_wait3A : memref<1x640xf32, #tpu.memory_space<vmem_shared>> -> memref<640xf32, #tpu.memory_space<vmem_shared>>
      %dma_wait3A_23 = tpu.memref_slice %arg9[%run_scoped3A, %multiple_of3A_11] : memref<16x10240xf32, #tpu.memory_space<vmem_shared>> -> memref<1x640xf32, #tpu.memory_space<vmem_shared>>
      %dma_wait3A_24 = tpu.memref_squeeze %dma_wait3A_23 : memref<1x640xf32, #tpu.memory_space<vmem_shared>> -> memref<640xf32, #tpu.memory_space<vmem_shared>>
      tpu.wait_dma2 semaphore(%run_scoped3A_18 : memref<!tpu.dma_semaphore, #tpu.memory_space<semaphore_mem>>) src(%dma_wait3A_24 : memref<640xf32, #tpu.memory_space<vmem_shared>>) dst(%arg8 : memref<640xf32, #tpu.memory_space<vmem>>)
      tpu.yield
    }) : () -> ()
    %scan3A_12 = arith.constant 0 : i32
    %scan3A_13 = arith.constant 1 : i32
    %scan3A_14 = arith.constant 15 : i32
    %scan3A_15 = arith.addi %scan3A_13, %scan3A_14 : i32
    %scan3A_16 = arith.constant 1 : i32
    scf.for %scan3A_18 = %scan3A_13 to %scan3A_15 step %scan3A_16  : i32 {
      "tpu.region"() ({
        %run_scoped3A_25 = tpu.sem_alloc : memref<!tpu.dma_semaphore, #tpu.memory_space<semaphore_mem>>
        %dma_start3A = tpu.memref_slice %arg9[%scan3A_18, %multiple_of3A_11] : memref<16x10240xf32, #tpu.memory_space<vmem_shared>> -> memref<1x640xf32, #tpu.memory_space<vmem_shared>>
        %dma_start3A_26 = tpu.memref_squeeze %dma_start3A : memref<1x640xf32, #tpu.memory_space<vmem_shared>> -> memref<640xf32, #tpu.memory_space<vmem_shared>>
        %dma_start3A_27 = tpu.memref_slice %arg9[%scan3A_18, %multiple_of3A_11] : memref<16x10240xf32, #tpu.memory_space<vmem_shared>> -> memref<1x640xf32, #tpu.memory_space<vmem_shared>>
        %dma_start3A_28 = tpu.memref_squeeze %dma_start3A_27 : memref<1x640xf32, #tpu.memory_space<vmem_shared>> -> memref<640xf32, #tpu.memory_space<vmem_shared>>
        tpu.enqueue_dma source(%dma_start3A_28 : memref<640xf32, #tpu.memory_space<vmem_shared>>) target(%arg7 : memref<640xf32, #tpu.memory_space<vmem>>) target_semaphore(%run_scoped3A_25 : memref<!tpu.dma_semaphore, #tpu.memory_space<semaphore_mem>>)
        %dma_wait3A = tpu.memref_slice %arg9[%scan3A_18, %multiple_of3A_11] : memref<16x10240xf32, #tpu.memory_space<vmem_shared>> -> memref<1x640xf32, #tpu.memory_space<vmem_shared>>
        %dma_wait3A_29 = tpu.memref_squeeze %dma_wait3A : memref<1x640xf32, #tpu.memory_space<vmem_shared>> -> memref<640xf32, #tpu.memory_space<vmem_shared>>
        %dma_wait3A_30 = tpu.memref_slice %arg9[%scan3A_18, %multiple_of3A_11] : memref<16x10240xf32, #tpu.memory_space<vmem_shared>> -> memref<1x640xf32, #tpu.memory_space<vmem_shared>>
        %dma_wait3A_31 = tpu.memref_squeeze %dma_wait3A_30 : memref<1x640xf32, #tpu.memory_space<vmem_shared>> -> memref<640xf32, #tpu.memory_space<vmem_shared>>
        tpu.wait_dma2 semaphore(%run_scoped3A_25 : memref<!tpu.dma_semaphore, #tpu.memory_space<semaphore_mem>>) src(%dma_wait3A_31 : memref<640xf32, #tpu.memory_space<vmem_shared>>) dst(%arg7 : memref<640xf32, #tpu.memory_space<vmem>>)
        tpu.yield
      }) : () -> ()
      %scan3A_19 = arith.constant 0 : i32
      %scan3A_20 = arith.constant 0 : i32
      %scan3A_21 = arith.constant 40 : i32
      %scan3A_22 = arith.addi %scan3A_20, %scan3A_21 : i32
      %scan3A_23 = arith.constant 1 : i32
      scf.for %scan3A_25 = %scan3A_20 to %scan3A_22 step %scan3A_23  : i32 {
        %mul3A_26 = arith.constant 16 : i32
        %mul3A_27 = arith.muli %scan3A_25, %mul3A_26 : i32
        %get3A = arith.index_cast %mul3A_27 : i32 to index
        %get3A_28 = tpu.vector_load %arg8[%get3A] {strides = array<i32>} : memref<640xf32, #tpu.memory_space<vmem>>, vector<16xf32>,
        %get3A_29 = arith.index_cast %mul3A_27 : i32 to index
        %get3A_30 = tpu.vector_load %arg7[%get3A_29] {strides = array<i32>} : memref<640xf32, #tpu.memory_space<vmem>>, vector<16xf32>,
        %add3A_31 = arith.addf %get3A_28, %get3A_30 : vector<16xf32>
        %swap3A = arith.index_cast %mul3A_27 : i32 to index
        %swap3A_32 = tpu.vector_load %arg8[%swap3A] {strides = array<i32>} : memref<640xf32, #tpu.memory_space<vmem>>, vector<16xf32>,
        tpu.vector_store %arg8[%swap3A], %add3A_31 {strides = array<i32>} : memref<640xf32, #tpu.memory_space<vmem>>, vector<16xf32>,
      }
      %scan3A_24 = arith.constant 40 : i32
    }
    %scan3A_17 = arith.constant 15 : i32
    "tpu.region"() ({
      %run_scoped3A_18 = tpu.sem_alloc : memref<!tpu.dma_semaphore, #tpu.memory_space<semaphore_mem>>
      %dma_start3A = tpu.memref_slice %arg4[%arg0, %multiple_of3A_11] : memref<2x10240xf32, #tpu.memory_space<hbm>> -> memref<1x640xf32, #tpu.memory_space<hbm>>
      %dma_start3A_19 = tpu.memref_squeeze %dma_start3A : memref<1x640xf32, #tpu.memory_space<hbm>> -> memref<640xf32, #tpu.memory_space<hbm>>
      %dma_start3A_20 = tpu.memref_slice %arg4[%arg0, %multiple_of3A_11] : memref<2x10240xf32, #tpu.memory_space<hbm>> -> memref<1x640xf32, #tpu.memory_space<hbm>>
      %dma_start3A_21 = tpu.memref_squeeze %dma_start3A_20 : memref<1x640xf32, #tpu.memory_space<hbm>> -> memref<640xf32, #tpu.memory_space<hbm>>
      tpu.enqueue_dma source(%arg8 : memref<640xf32, #tpu.memory_space<vmem>>) target(%dma_start3A_21 : memref<640xf32, #tpu.memory_space<hbm>>) target_semaphore(%run_scoped3A_18 : memref<!tpu.dma_semaphore, #tpu.memory_space<semaphore_mem>>)
      %dma_wait3A = tpu.memref_slice %arg4[%arg0, %multiple_of3A_11] : memref<2x10240xf32, #tpu.memory_space<hbm>> -> memref<1x640xf32, #tpu.memory_space<hbm>>
      %dma_wait3A_22 = tpu.memref_squeeze %dma_wait3A : memref<1x640xf32, #tpu.memory_space<hbm>> -> memref<640xf32, #tpu.memory_space<hbm>>
      %dma_wait3A_23 = tpu.memref_slice %arg4[%arg0, %multiple_of3A_11] : memref<2x10240xf32, #tpu.memory_space<hbm>> -> memref<1x640xf32, #tpu.memory_space<hbm>>
      %dma_wait3A_24 = tpu.memref_squeeze %dma_wait3A_23 : memref<1x640xf32, #tpu.memory_space<hbm>> -> memref<640xf32, #tpu.memory_space<hbm>>
      tpu.wait_dma2 semaphore(%run_scoped3A_18 : memref<!tpu.dma_semaphore, #tpu.memory_space<semaphore_mem>>) src(%arg8 : memref<640xf32, #tpu.memory_space<vmem>>) dst(%dma_wait3A_24 : memref<640xf32, #tpu.memory_space<hbm>>)
      tpu.yield
    }) : () -> ()
    return
  }
}

#map = affine_map<(d0, d1) -> (0, 0)>
#map1 = affine_map<(d0, d1) -> (0, 0, 0)>
module attributes {stable_mosaic.version = 14 : i64} {
  func.func @_agg_body(%arg0: i32, %arg1: i32, %arg2: memref<10000x128xf32, #tpu.memory_space<hbm>>, %arg3: memref<32x80x128xi32, #tpu.memory_space<hbm>>, %arg4: memref<32x80x128xi32, #tpu.memory_space<hbm>>, %arg5: memref<128x128xf32, #tpu.memory_space<hbm>>, %arg6: memref<2x10240x128xf32, #tpu.memory_space<hbm>>, %arg7: memref<40x128xi32, #tpu.memory_space<vmem>>, %arg8: memref<40x128xi32, #tpu.memory_space<vmem>>, %arg9: memref<128x128xf32, #tpu.memory_space<vmem>>, %arg10: memref<128x128xf32, #tpu.memory_space<vmem>>, %arg11: memref<10240x128xf32, #tpu.memory_space<vmem_shared>>, %arg12: memref<!tpu.dma_semaphore, #tpu.memory_space<semaphore_mem>>, %arg13: memref<!tpu.dma_semaphore, #tpu.memory_space<semaphore_mem>>) attributes {dimension_semantics = [#tpu.dimension_semantics<core_parallel>, #tpu.dimension_semantics<subcore_parallel>], iteration_bounds = array<i64: 2, 16>, scalar_prefetch = 0 : i64, scratch_operands = 7 : i64, tpu.core_type = #tpu.core_type<sc_vector_subcore>, window_params = [{transform_indices = #map}, {transform_indices = #map1}, {transform_indices = #map1}, {transform_indices = #map}, {transform_indices = #map1}]} {
    %mul3A = arith.constant 16 : i32
    %mul3A_0 = arith.muli %arg0, %mul3A : i32
    %add3A = arith.addi %mul3A_0, %arg1 : i32
    %mul3A_1 = arith.constant 640 : i32
    %mul3A_2 = arith.muli %arg1, %mul3A_1 : i32
    %multiple_of3A = tpu.assume_multiple %mul3A_2, 640 : i32
    %add3A_3 = arith.constant 0 : i32
    %add3A_4 = arith.addi %multiple_of3A, %add3A_3 : i32
    "tpu.region"() ({
      %run_scoped3A = tpu.sem_alloc : memref<!tpu.dma_semaphore, #tpu.memory_space<semaphore_mem>>
      %dma_start3A = arith.constant 0 : i32
      %dma_start3A_19 = tpu.memref_slice %arg11[%add3A_4, %dma_start3A] : memref<10240x128xf32, #tpu.memory_space<vmem_shared>> -> memref<128x128xf32, #tpu.memory_space<vmem_shared>>
      tpu.enqueue_dma source(%arg5 : memref<128x128xf32, #tpu.memory_space<hbm>>) target(%dma_start3A_19 : memref<128x128xf32, #tpu.memory_space<vmem_shared>>) target_semaphore(%run_scoped3A : memref<!tpu.dma_semaphore, #tpu.memory_space<semaphore_mem>>)
      %dma_wait3A = arith.constant 0 : i32
      %dma_wait3A_20 = tpu.memref_slice %arg11[%add3A_4, %dma_wait3A] : memref<10240x128xf32, #tpu.memory_space<vmem_shared>> -> memref<128x128xf32, #tpu.memory_space<vmem_shared>>
      tpu.wait_dma2 semaphore(%run_scoped3A : memref<!tpu.dma_semaphore, #tpu.memory_space<semaphore_mem>>) src(%arg5 : memref<128x128xf32, #tpu.memory_space<hbm>>) dst(%dma_wait3A_20 : memref<128x128xf32, #tpu.memory_space<vmem_shared>>)
      tpu.yield
    }) : () -> ()
    %add3A_5 = arith.constant 128 : i32
    %add3A_6 = arith.addi %multiple_of3A, %add3A_5 : i32
    "tpu.region"() ({
      %run_scoped3A = tpu.sem_alloc : memref<!tpu.dma_semaphore, #tpu.memory_space<semaphore_mem>>
      %dma_start3A = arith.constant 0 : i32
      %dma_start3A_19 = tpu.memref_slice %arg11[%add3A_6, %dma_start3A] : memref<10240x128xf32, #tpu.memory_space<vmem_shared>> -> memref<128x128xf32, #tpu.memory_space<vmem_shared>>
      tpu.enqueue_dma source(%arg5 : memref<128x128xf32, #tpu.memory_space<hbm>>) target(%dma_start3A_19 : memref<128x128xf32, #tpu.memory_space<vmem_shared>>) target_semaphore(%run_scoped3A : memref<!tpu.dma_semaphore, #tpu.memory_space<semaphore_mem>>)
      %dma_wait3A = arith.constant 0 : i32
      %dma_wait3A_20 = tpu.memref_slice %arg11[%add3A_6, %dma_wait3A] : memref<10240x128xf32, #tpu.memory_space<vmem_shared>> -> memref<128x128xf32, #tpu.memory_space<vmem_shared>>
      tpu.wait_dma2 semaphore(%run_scoped3A : memref<!tpu.dma_semaphore, #tpu.memory_space<semaphore_mem>>) src(%arg5 : memref<128x128xf32, #tpu.memory_space<hbm>>) dst(%dma_wait3A_20 : memref<128x128xf32, #tpu.memory_space<vmem_shared>>)
      tpu.yield
    }) : () -> ()
    %add3A_7 = arith.constant 256 : i32
    %add3A_8 = arith.addi %multiple_of3A, %add3A_7 : i32
    "tpu.region"() ({
      %run_scoped3A = tpu.sem_alloc : memref<!tpu.dma_semaphore, #tpu.memory_space<semaphore_mem>>
      %dma_start3A = arith.constant 0 : i32
      %dma_start3A_19 = tpu.memref_slice %arg11[%add3A_8, %dma_start3A] : memref<10240x128xf32, #tpu.memory_space<vmem_shared>> -> memref<128x128xf32, #tpu.memory_space<vmem_shared>>
      tpu.enqueue_dma source(%arg5 : memref<128x128xf32, #tpu.memory_space<hbm>>) target(%dma_start3A_19 : memref<128x128xf32, #tpu.memory_space<vmem_shared>>) target_semaphore(%run_scoped3A : memref<!tpu.dma_semaphore, #tpu.memory_space<semaphore_mem>>)
      %dma_wait3A = arith.constant 0 : i32
      %dma_wait3A_20 = tpu.memref_slice %arg11[%add3A_8, %dma_wait3A] : memref<10240x128xf32, #tpu.memory_space<vmem_shared>> -> memref<128x128xf32, #tpu.memory_space<vmem_shared>>
      tpu.wait_dma2 semaphore(%run_scoped3A : memref<!tpu.dma_semaphore, #tpu.memory_space<semaphore_mem>>) src(%arg5 : memref<128x128xf32, #tpu.memory_space<hbm>>) dst(%dma_wait3A_20 : memref<128x128xf32, #tpu.memory_space<vmem_shared>>)
      tpu.yield
    }) : () -> ()
    %add3A_9 = arith.constant 384 : i32
    %add3A_10 = arith.addi %multiple_of3A, %add3A_9 : i32
    "tpu.region"() ({
      %run_scoped3A = tpu.sem_alloc : memref<!tpu.dma_semaphore, #tpu.memory_space<semaphore_mem>>
      %dma_start3A = arith.constant 0 : i32
      %dma_start3A_19 = tpu.memref_slice %arg11[%add3A_10, %dma_start3A] : memref<10240x128xf32, #tpu.memory_space<vmem_shared>> -> memref<128x128xf32, #tpu.memory_space<vmem_shared>>
      tpu.enqueue_dma source(%arg5 : memref<128x128xf32, #tpu.memory_space<hbm>>) target(%dma_start3A_19 : memref<128x128xf32, #tpu.memory_space<vmem_shared>>) target_semaphore(%run_scoped3A : memref<!tpu.dma_semaphore, #tpu.memory_space<semaphore_mem>>)
      %dma_wait3A = arith.constant 0 : i32
      %dma_wait3A_20 = tpu.memref_slice %arg11[%add3A_10, %dma_wait3A] : memref<10240x128xf32, #tpu.memory_space<vmem_shared>> -> memref<128x128xf32, #tpu.memory_space<vmem_shared>>
      tpu.wait_dma2 semaphore(%run_scoped3A : memref<!tpu.dma_semaphore, #tpu.memory_space<semaphore_mem>>) src(%arg5 : memref<128x128xf32, #tpu.memory_space<hbm>>) dst(%dma_wait3A_20 : memref<128x128xf32, #tpu.memory_space<vmem_shared>>)
      tpu.yield
    }) : () -> ()
    %add3A_11 = arith.constant 512 : i32
    %add3A_12 = arith.addi %multiple_of3A, %add3A_11 : i32
    "tpu.region"() ({
      %run_scoped3A = tpu.sem_alloc : memref<!tpu.dma_semaphore, #tpu.memory_space<semaphore_mem>>
      %dma_start3A = arith.constant 0 : i32
      %dma_start3A_19 = tpu.memref_slice %arg11[%add3A_12, %dma_start3A] : memref<10240x128xf32, #tpu.memory_space<vmem_shared>> -> memref<128x128xf32, #tpu.memory_space<vmem_shared>>
      tpu.enqueue_dma source(%arg5 : memref<128x128xf32, #tpu.memory_space<hbm>>) target(%dma_start3A_19 : memref<128x128xf32, #tpu.memory_space<vmem_shared>>) target_semaphore(%run_scoped3A : memref<!tpu.dma_semaphore, #tpu.memory_space<semaphore_mem>>)
      %dma_wait3A = arith.constant 0 : i32
      %dma_wait3A_20 = tpu.memref_slice %arg11[%add3A_12, %dma_wait3A] : memref<10240x128xf32, #tpu.memory_space<vmem_shared>> -> memref<128x128xf32, #tpu.memory_space<vmem_shared>>
      tpu.wait_dma2 semaphore(%run_scoped3A : memref<!tpu.dma_semaphore, #tpu.memory_space<semaphore_mem>>) src(%arg5 : memref<128x128xf32, #tpu.memory_space<hbm>>) dst(%dma_wait3A_20 : memref<128x128xf32, #tpu.memory_space<vmem_shared>>)
      tpu.yield
    }) : () -> ()
    %barrier3A = arith.constant 0 : index
    tpu.barrier barrier_id(%barrier3A)
    %scan3A = arith.constant 0 : i32
    %scan3A_13 = arith.constant 0 : i32
    %scan3A_14 = arith.constant 2 : i32
    %scan3A_15 = arith.addi %scan3A_13, %scan3A_14 : i32
    %scan3A_16 = arith.constant 1 : i32
    scf.for %scan3A_19 = %scan3A_13 to %scan3A_15 step %scan3A_16  : i32 {
      %mul3A_20 = arith.constant 40 : i32
      %mul3A_21 = arith.muli %scan3A_19, %mul3A_20 : i32
      "tpu.region"() ({
        %run_scoped3A = tpu.sem_alloc : memref<!tpu.dma_semaphore, #tpu.memory_space<semaphore_mem>>
        %dma_start3A_36 = arith.constant 0 : i32
        %dma_start3A_37 = tpu.memref_slice %arg3[%add3A, %mul3A_21, %dma_start3A_36] : memref<32x80x128xi32, #tpu.memory_space<hbm>> -> memref<1x40x128xi32, #tpu.memory_space<hbm>>
        %dma_start3A_38 = tpu.memref_squeeze %dma_start3A_37 : memref<1x40x128xi32, #tpu.memory_space<hbm>> -> memref<40x128xi32, #tpu.memory_space<hbm>>
        %dma_start3A_39 = arith.constant 0 : i32
        %dma_start3A_40 = tpu.memref_slice %arg3[%add3A, %mul3A_21, %dma_start3A_39] : memref<32x80x128xi32, #tpu.memory_space<hbm>> -> memref<1x40x128xi32, #tpu.memory_space<hbm>>
        %dma_start3A_41 = tpu.memref_squeeze %dma_start3A_40 : memref<1x40x128xi32, #tpu.memory_space<hbm>> -> memref<40x128xi32, #tpu.memory_space<hbm>>
        tpu.enqueue_dma source(%dma_start3A_41 : memref<40x128xi32, #tpu.memory_space<hbm>>) target(%arg7 : memref<40x128xi32, #tpu.memory_space<vmem>>) target_semaphore(%run_scoped3A : memref<!tpu.dma_semaphore, #tpu.memory_space<semaphore_mem>>)
        %dma_wait3A = arith.constant 0 : i32
        %dma_wait3A_42 = tpu.memref_slice %arg3[%add3A, %mul3A_21, %dma_wait3A] : memref<32x80x128xi32, #tpu.memory_space<hbm>> -> memref<1x40x128xi32, #tpu.memory_space<hbm>>
        %dma_wait3A_43 = tpu.memref_squeeze %dma_wait3A_42 : memref<1x40x128xi32, #tpu.memory_space<hbm>> -> memref<40x128xi32, #tpu.memory_space<hbm>>
        %dma_wait3A_44 = arith.constant 0 : i32
        %dma_wait3A_45 = tpu.memref_slice %arg3[%add3A, %mul3A_21, %dma_wait3A_44] : memref<32x80x128xi32, #tpu.memory_space<hbm>> -> memref<1x40x128xi32, #tpu.memory_space<hbm>>
        %dma_wait3A_46 = tpu.memref_squeeze %dma_wait3A_45 : memref<1x40x128xi32, #tpu.memory_space<hbm>> -> memref<40x128xi32, #tpu.memory_space<hbm>>
        tpu.wait_dma2 semaphore(%run_scoped3A : memref<!tpu.dma_semaphore, #tpu.memory_space<semaphore_mem>>) src(%dma_wait3A_46 : memref<40x128xi32, #tpu.memory_space<hbm>>) dst(%arg7 : memref<40x128xi32, #tpu.memory_space<vmem>>)
        tpu.yield
      }) : () -> ()
      %mul3A_22 = arith.constant 40 : i32
      %mul3A_23 = arith.muli %scan3A_19, %mul3A_22 : i32
      "tpu.region"() ({
        %run_scoped3A = tpu.sem_alloc : memref<!tpu.dma_semaphore, #tpu.memory_space<semaphore_mem>>
        %dma_start3A_36 = arith.constant 0 : i32
        %dma_start3A_37 = tpu.memref_slice %arg4[%add3A, %mul3A_23, %dma_start3A_36] : memref<32x80x128xi32, #tpu.memory_space<hbm>> -> memref<1x40x128xi32, #tpu.memory_space<hbm>>
        %dma_start3A_38 = tpu.memref_squeeze %dma_start3A_37 : memref<1x40x128xi32, #tpu.memory_space<hbm>> -> memref<40x128xi32, #tpu.memory_space<hbm>>
        %dma_start3A_39 = arith.constant 0 : i32
        %dma_start3A_40 = tpu.memref_slice %arg4[%add3A, %mul3A_23, %dma_start3A_39] : memref<32x80x128xi32, #tpu.memory_space<hbm>> -> memref<1x40x128xi32, #tpu.memory_space<hbm>>
        %dma_start3A_41 = tpu.memref_squeeze %dma_start3A_40 : memref<1x40x128xi32, #tpu.memory_space<hbm>> -> memref<40x128xi32, #tpu.memory_space<hbm>>
        tpu.enqueue_dma source(%dma_start3A_41 : memref<40x128xi32, #tpu.memory_space<hbm>>) target(%arg8 : memref<40x128xi32, #tpu.memory_space<vmem>>) target_semaphore(%run_scoped3A : memref<!tpu.dma_semaphore, #tpu.memory_space<semaphore_mem>>)
        %dma_wait3A = arith.constant 0 : i32
        %dma_wait3A_42 = tpu.memref_slice %arg4[%add3A, %mul3A_23, %dma_wait3A] : memref<32x80x128xi32, #tpu.memory_space<hbm>> -> memref<1x40x128xi32, #tpu.memory_space<hbm>>
        %dma_wait3A_43 = tpu.memref_squeeze %dma_wait3A_42 : memref<1x40x128xi32, #tpu.memory_space<hbm>> -> memref<40x128xi32, #tpu.memory_space<hbm>>
        %dma_wait3A_44 = arith.constant 0 : i32
        %dma_wait3A_45 = tpu.memref_slice %arg4[%add3A, %mul3A_23, %dma_wait3A_44] : memref<32x80x128xi32, #tpu.memory_space<hbm>> -> memref<1x40x128xi32, #tpu.memory_space<hbm>>
        %dma_wait3A_46 = tpu.memref_squeeze %dma_wait3A_45 : memref<1x40x128xi32, #tpu.memory_space<hbm>> -> memref<40x128xi32, #tpu.memory_space<hbm>>
        tpu.wait_dma2 semaphore(%run_scoped3A : memref<!tpu.dma_semaphore, #tpu.memory_space<semaphore_mem>>) src(%dma_wait3A_46 : memref<40x128xi32, #tpu.memory_space<hbm>>) dst(%arg8 : memref<40x128xi32, #tpu.memory_space<vmem>>)
        tpu.yield
      }) : () -> ()
      %dma_start3A = arith.constant 0 : i32
      %dma_start3A_24 = arith.constant 0 : i32
      %dma_start3A_25 = tpu.memref_slice %arg7[%dma_start3A, %dma_start3A_24] : memref<40x128xi32, #tpu.memory_space<vmem>> -> memref<1x128xi32, #tpu.memory_space<vmem>>
      %dma_start3A_26 = tpu.memref_squeeze %dma_start3A_25 : memref<1x128xi32, #tpu.memory_space<vmem>> -> memref<128xi32, #tpu.memory_space<vmem>>
      %dma_start3A_27 = arith.constant 0 : i32
      %dma_start3A_28 = arith.constant 0 : i32
      %dma_start3A_29 = tpu.memref_slice %arg2[%dma_start3A_27, %dma_start3A_28] : memref<10000x128xf32, #tpu.memory_space<hbm>> -> memref<10000x128xf32, #tpu.memory_space<hbm>>
      tpu.enqueue_indirect_dma source(%dma_start3A_29 : memref<10000x128xf32, #tpu.memory_space<hbm>>) target(%arg9 : memref<128x128xf32, #tpu.memory_space<vmem>>) offsets(%dma_start3A_26 : memref<128xi32, #tpu.memory_space<vmem>>) semaphore(%arg12 : memref<!tpu.dma_semaphore, #tpu.memory_space<semaphore_mem>>)
      %scan3A_30 = arith.constant 0 : i32
      %scan3A_31 = arith.constant 0 : i32
      %scan3A_32 = arith.constant 20 : i32
      %scan3A_33 = arith.addi %scan3A_31, %scan3A_32 : i32
      %scan3A_34 = arith.constant 1 : i32
      scf.for %scan3A_36 = %scan3A_31 to %scan3A_33 step %scan3A_34  : i32 {
        %mul3A_37 = arith.constant 2 : i32
        %mul3A_38 = arith.muli %mul3A_37, %scan3A_36 : i32
        %add3A_39 = arith.constant 1 : i32
        %add3A_40 = arith.addi %mul3A_38, %add3A_39 : i32
        %dma_start3A_41 = arith.constant 0 : i32
        %dma_start3A_42 = tpu.memref_slice %arg7[%add3A_40, %dma_start3A_41] : memref<40x128xi32, #tpu.memory_space<vmem>> -> memref<1x128xi32, #tpu.memory_space<vmem>>
        %dma_start3A_43 = tpu.memref_squeeze %dma_start3A_42 : memref<1x128xi32, #tpu.memory_space<vmem>> -> memref<128xi32, #tpu.memory_space<vmem>>
        %dma_start3A_44 = arith.constant 0 : i32
        %dma_start3A_45 = arith.constant 0 : i32
        %dma_start3A_46 = tpu.memref_slice %arg2[%dma_start3A_44, %dma_start3A_45] : memref<10000x128xf32, #tpu.memory_space<hbm>> -> memref<10000x128xf32, #tpu.memory_space<hbm>>
        tpu.enqueue_indirect_dma source(%dma_start3A_46 : memref<10000x128xf32, #tpu.memory_space<hbm>>) target(%arg10 : memref<128x128xf32, #tpu.memory_space<vmem>>) offsets(%dma_start3A_43 : memref<128xi32, #tpu.memory_space<vmem>>) semaphore(%arg13 : memref<!tpu.dma_semaphore, #tpu.memory_space<semaphore_mem>>)
        %mul3A_47 = arith.constant 2 : i32
        %mul3A_48 = arith.muli %mul3A_47, %scan3A_36 : i32
        %dma_wait3A = arith.constant 0 : i32
        %dma_wait3A_49 = tpu.memref_slice %arg7[%mul3A_48, %dma_wait3A] : memref<40x128xi32, #tpu.memory_space<vmem>> -> memref<1x128xi32, #tpu.memory_space<vmem>>
        %dma_wait3A_50 = tpu.memref_squeeze %dma_wait3A_49 : memref<1x128xi32, #tpu.memory_space<vmem>> -> memref<128xi32, #tpu.memory_space<vmem>>
        %dma_wait3A_51 = arith.constant 0 : i32
        %dma_wait3A_52 = arith.constant 0 : i32
        %dma_wait3A_53 = tpu.memref_slice %arg2[%dma_wait3A_51, %dma_wait3A_52] : memref<10000x128xf32, #tpu.memory_space<hbm>> -> memref<10000x128xf32, #tpu.memory_space<hbm>>
        tpu.wait_indirect_dma semaphore(%arg12 : memref<!tpu.dma_semaphore, #tpu.memory_space<semaphore_mem>>) src(%dma_wait3A_53 : memref<10000x128xf32, #tpu.memory_space<hbm>>) dst(%arg9 : memref<128x128xf32, #tpu.memory_space<vmem>>)
        %mul3A_54 = arith.constant 2 : i32
        %mul3A_55 = arith.muli %mul3A_54, %scan3A_36 : i32
        "tpu.region"() ({
          %run_scoped3A = tpu.sem_alloc : memref<!tpu.dma_semaphore, #tpu.memory_space<semaphore_mem>>
          %dma_start3A_72 = arith.constant 0 : i32
          %dma_start3A_73 = tpu.memref_slice %arg8[%mul3A_55, %dma_start3A_72] : memref<40x128xi32, #tpu.memory_space<vmem>> -> memref<1x128xi32, #tpu.memory_space<vmem>>
          %dma_start3A_74 = tpu.memref_squeeze %dma_start3A_73 : memref<1x128xi32, #tpu.memory_space<vmem>> -> memref<128xi32, #tpu.memory_space<vmem>>
          %dma_start3A_75 = arith.constant 0 : i32
          %dma_start3A_76 = arith.constant 0 : i32
          %dma_start3A_77 = tpu.memref_slice %arg11[%dma_start3A_75, %dma_start3A_76] : memref<10240x128xf32, #tpu.memory_space<vmem_shared>> -> memref<10240x128xf32, #tpu.memory_space<vmem_shared>>
          tpu.enqueue_indirect_dma source(%arg9 : memref<128x128xf32, #tpu.memory_space<vmem>>) target(%dma_start3A_77 : memref<10240x128xf32, #tpu.memory_space<vmem_shared>>) offsets(%dma_start3A_74 : memref<128xi32, #tpu.memory_space<vmem>>) semaphore(%run_scoped3A : memref<!tpu.dma_semaphore, #tpu.memory_space<semaphore_mem>>) {add = true}
          %dma_wait3A_78 = arith.constant 0 : i32
          %dma_wait3A_79 = tpu.memref_slice %arg8[%mul3A_55, %dma_wait3A_78] : memref<40x128xi32, #tpu.memory_space<vmem>> -> memref<1x128xi32, #tpu.memory_space<vmem>>
          %dma_wait3A_80 = tpu.memref_squeeze %dma_wait3A_79 : memref<1x128xi32, #tpu.memory_space<vmem>> -> memref<128xi32, #tpu.memory_space<vmem>>
          %dma_wait3A_81 = arith.constant 0 : i32
          %dma_wait3A_82 = arith.constant 0 : i32
          %dma_wait3A_83 = tpu.memref_slice %arg11[%dma_wait3A_81, %dma_wait3A_82] : memref<10240x128xf32, #tpu.memory_space<vmem_shared>> -> memref<10240x128xf32, #tpu.memory_space<vmem_shared>>
          tpu.wait_indirect_dma semaphore(%run_scoped3A : memref<!tpu.dma_semaphore, #tpu.memory_space<semaphore_mem>>) src(%arg9 : memref<128x128xf32, #tpu.memory_space<vmem>>) dst(%dma_wait3A_83 : memref<10240x128xf32, #tpu.memory_space<vmem_shared>>)
          tpu.yield
        }) : () -> ()
        %lt3A = arith.constant 19 : i32
        %lt3A_56 = arith.cmpi slt, %scan3A_36, %lt3A : i32
        %convert_element_type3A = arith.extui %lt3A_56 : i1 to i32
        %cond3A = arith.constant 0 : i32
        %cond3A_57 = arith.cmpi ne, %convert_element_type3A, %cond3A : i32
        scf.if %cond3A_57 {
          %mul3A_72 = arith.constant 2 : i32
          %mul3A_73 = arith.muli %mul3A_72, %scan3A_36 : i32
          %add3A_74 = arith.constant 2 : i32
          %add3A_75 = arith.addi %mul3A_73, %add3A_74 : i32
          %dma_start3A_76 = arith.constant 0 : i32
          %dma_start3A_77 = tpu.memref_slice %arg7[%add3A_75, %dma_start3A_76] : memref<40x128xi32, #tpu.memory_space<vmem>> -> memref<1x128xi32, #tpu.memory_space<vmem>>
          %dma_start3A_78 = tpu.memref_squeeze %dma_start3A_77 : memref<1x128xi32, #tpu.memory_space<vmem>> -> memref<128xi32, #tpu.memory_space<vmem>>
          %dma_start3A_79 = arith.constant 0 : i32
          %dma_start3A_80 = arith.constant 0 : i32
          %dma_start3A_81 = tpu.memref_slice %arg2[%dma_start3A_79, %dma_start3A_80] : memref<10000x128xf32, #tpu.memory_space<hbm>> -> memref<10000x128xf32, #tpu.memory_space<hbm>>
          tpu.enqueue_indirect_dma source(%dma_start3A_81 : memref<10000x128xf32, #tpu.memory_space<hbm>>) target(%arg9 : memref<128x128xf32, #tpu.memory_space<vmem>>) offsets(%dma_start3A_78 : memref<128xi32, #tpu.memory_space<vmem>>) semaphore(%arg12 : memref<!tpu.dma_semaphore, #tpu.memory_space<semaphore_mem>>)
        } else {
        }
        %mul3A_58 = arith.constant 2 : i32
        %mul3A_59 = arith.muli %mul3A_58, %scan3A_36 : i32
        %add3A_60 = arith.constant 1 : i32
        %add3A_61 = arith.addi %mul3A_59, %add3A_60 : i32
        %dma_wait3A_62 = arith.constant 0 : i32
        %dma_wait3A_63 = tpu.memref_slice %arg7[%add3A_61, %dma_wait3A_62] : memref<40x128xi32, #tpu.memory_space<vmem>> -> memref<1x128xi32, #tpu.memory_space<vmem>>
        %dma_wait3A_64 = tpu.memref_squeeze %dma_wait3A_63 : memref<1x128xi32, #tpu.memory_space<vmem>> -> memref<128xi32, #tpu.memory_space<vmem>>
        %dma_wait3A_65 = arith.constant 0 : i32
        %dma_wait3A_66 = arith.constant 0 : i32
        %dma_wait3A_67 = tpu.memref_slice %arg2[%dma_wait3A_65, %dma_wait3A_66] : memref<10000x128xf32, #tpu.memory_space<hbm>> -> memref<10000x128xf32, #tpu.memory_space<hbm>>
        tpu.wait_indirect_dma semaphore(%arg13 : memref<!tpu.dma_semaphore, #tpu.memory_space<semaphore_mem>>) src(%dma_wait3A_67 : memref<10000x128xf32, #tpu.memory_space<hbm>>) dst(%arg10 : memref<128x128xf32, #tpu.memory_space<vmem>>)
        %mul3A_68 = arith.constant 2 : i32
        %mul3A_69 = arith.muli %mul3A_68, %scan3A_36 : i32
        %add3A_70 = arith.constant 1 : i32
        %add3A_71 = arith.addi %mul3A_69, %add3A_70 : i32
        "tpu.region"() ({
          %run_scoped3A = tpu.sem_alloc : memref<!tpu.dma_semaphore, #tpu.memory_space<semaphore_mem>>
          %dma_start3A_72 = arith.constant 0 : i32
          %dma_start3A_73 = tpu.memref_slice %arg8[%add3A_71, %dma_start3A_72] : memref<40x128xi32, #tpu.memory_space<vmem>> -> memref<1x128xi32, #tpu.memory_space<vmem>>
          %dma_start3A_74 = tpu.memref_squeeze %dma_start3A_73 : memref<1x128xi32, #tpu.memory_space<vmem>> -> memref<128xi32, #tpu.memory_space<vmem>>
          %dma_start3A_75 = arith.constant 0 : i32
          %dma_start3A_76 = arith.constant 0 : i32
          %dma_start3A_77 = tpu.memref_slice %arg11[%dma_start3A_75, %dma_start3A_76] : memref<10240x128xf32, #tpu.memory_space<vmem_shared>> -> memref<10240x128xf32, #tpu.memory_space<vmem_shared>>
          tpu.enqueue_indirect_dma source(%arg10 : memref<128x128xf32, #tpu.memory_space<vmem>>) target(%dma_start3A_77 : memref<10240x128xf32, #tpu.memory_space<vmem_shared>>) offsets(%dma_start3A_74 : memref<128xi32, #tpu.memory_space<vmem>>) semaphore(%run_scoped3A : memref<!tpu.dma_semaphore, #tpu.memory_space<semaphore_mem>>) {add = true}
          %dma_wait3A_78 = arith.constant 0 : i32
          %dma_wait3A_79 = tpu.memref_slice %arg8[%add3A_71, %dma_wait3A_78] : memref<40x128xi32, #tpu.memory_space<vmem>> -> memref<1x128xi32, #tpu.memory_space<vmem>>
          %dma_wait3A_80 = tpu.memref_squeeze %dma_wait3A_79 : memref<1x128xi32, #tpu.memory_space<vmem>> -> memref<128xi32, #tpu.memory_space<vmem>>
          %dma_wait3A_81 = arith.constant 0 : i32
          %dma_wait3A_82 = arith.constant 0 : i32
          %dma_wait3A_83 = tpu.memref_slice %arg11[%dma_wait3A_81, %dma_wait3A_82] : memref<10240x128xf32, #tpu.memory_space<vmem_shared>> -> memref<10240x128xf32, #tpu.memory_space<vmem_shared>>
          tpu.wait_indirect_dma semaphore(%run_scoped3A : memref<!tpu.dma_semaphore, #tpu.memory_space<semaphore_mem>>) src(%arg10 : memref<128x128xf32, #tpu.memory_space<vmem>>) dst(%dma_wait3A_83 : memref<10240x128xf32, #tpu.memory_space<vmem_shared>>)
          tpu.yield
        }) : () -> ()
      }
      %scan3A_35 = arith.constant 20 : i32
    }
    %scan3A_17 = arith.constant 2 : i32
    %barrier3A_18 = arith.constant 0 : index
    tpu.barrier barrier_id(%barrier3A_18)
    "tpu.region"() ({
      %run_scoped3A = tpu.sem_alloc : memref<!tpu.dma_semaphore, #tpu.memory_space<semaphore_mem>>
      %dma_start3A = arith.constant 0 : i32
      %dma_start3A_19 = tpu.memref_slice %arg6[%arg0, %multiple_of3A, %dma_start3A] : memref<2x10240x128xf32, #tpu.memory_space<hbm>> -> memref<1x640x128xf32, #tpu.memory_space<hbm>>
      %dma_start3A_20 = tpu.memref_squeeze %dma_start3A_19 : memref<1x640x128xf32, #tpu.memory_space<hbm>> -> memref<640x128xf32, #tpu.memory_space<hbm>>
      %dma_start3A_21 = arith.constant 0 : i32
      %dma_start3A_22 = tpu.memref_slice %arg11[%multiple_of3A, %dma_start3A_21] : memref<10240x128xf32, #tpu.memory_space<vmem_shared>> -> memref<640x128xf32, #tpu.memory_space<vmem_shared>>
      tpu.enqueue_dma source(%dma_start3A_22 : memref<640x128xf32, #tpu.memory_space<vmem_shared>>) target(%dma_start3A_20 : memref<640x128xf32, #tpu.memory_space<hbm>>) target_semaphore(%run_scoped3A : memref<!tpu.dma_semaphore, #tpu.memory_space<semaphore_mem>>)
      %dma_wait3A = arith.constant 0 : i32
      %dma_wait3A_23 = tpu.memref_slice %arg6[%arg0, %multiple_of3A, %dma_wait3A] : memref<2x10240x128xf32, #tpu.memory_space<hbm>> -> memref<1x640x128xf32, #tpu.memory_space<hbm>>
      %dma_wait3A_24 = tpu.memref_squeeze %dma_wait3A_23 : memref<1x640x128xf32, #tpu.memory_space<hbm>> -> memref<640x128xf32, #tpu.memory_space<hbm>>
      %dma_wait3A_25 = arith.constant 0 : i32
      %dma_wait3A_26 = tpu.memref_slice %arg11[%multiple_of3A, %dma_wait3A_25] : memref<10240x128xf32, #tpu.memory_space<vmem_shared>> -> memref<640x128xf32, #tpu.memory_space<vmem_shared>>
      tpu.wait_dma2 semaphore(%run_scoped3A : memref<!tpu.dma_semaphore, #tpu.memory_space<semaphore_mem>>) src(%dma_wait3A_26 : memref<640x128xf32, #tpu.memory_space<vmem_shared>>) dst(%dma_wait3A_24 : memref<640x128xf32, #tpu.memory_space<hbm>>)
      tpu.yield
    }) : () -> ()
    return
  }
}

module attributes {stable_mosaic.version = 14 : i64} {
  func.func @_mm_body(%arg0: i32, %arg1: memref<512x128xf32, #tpu.memory_space<vmem>>, %arg2: memref<128x128xf32, #tpu.memory_space<vmem>>, %arg3: memref<2x512x1xf32, #tpu.memory_space<vmem>>, %arg4: memref<512x128xf32, #tpu.memory_space<vmem>>) attributes {dimension_semantics = [#tpu.dimension_semantics<arbitrary>], iteration_bounds = array<i64: 20>, scalar_prefetch = 0 : i64, scratch_operands = 0 : i64, tpu.core_type = #tpu.core_type<tc>, window_params = [{transform_indices = @transform_0, window_bounds = array<i64: 512, 128>}, {pipeline_mode = #tpu.pipeline_mode<synchronous>, transform_indices = @transform_1, window_bounds = array<i64: 128, 128>}, {transform_indices = @transform_2, window_bounds = array<i64: 2, 512, 1>}, {transform_indices = @transform_3, window_bounds = array<i64: 512, 128>}]} {
    %get3A = arith.constant 0 : index
    %get3A_0 = arith.constant 0 : index
    %get3A_1 = vector.load %arg1[%get3A, %get3A_0] : memref<512x128xf32, #tpu.memory_space<vmem>>, vector<512x128xf32>
    %get3A_2 = arith.constant 0 : index
    %get3A_3 = arith.constant 0 : index
    %get3A_4 = vector.load %arg2[%get3A_2, %get3A_3] : memref<128x128xf32, #tpu.memory_space<vmem>>, vector<128x128xf32>
    %dot_general3A = arith.constant dense<0.000000e+00> : vector<512x128xf32>
    %dot_general3A_5 = tpu.matmul %get3A_1, %get3A_4, %dot_general3A {dimension_numbers = #tpu.dot_dimension_numbers<[1], [0], [0], [1], [0, 0, 1, 1], [], []>, transpose_lhs_hint = false} : vector<512x128xf32>, vector<128x128xf32>, vector<512x128xf32> -> vector<512x128xf32>
    %get3A_6 = arith.constant 0 : index
    %get3A_7 = arith.constant 0 : index
    %get3A_8 = arith.constant 0 : index
    %get3A_9 = vector.load %arg3[%get3A_6, %get3A_7, %get3A_8] : memref<2x512x1xf32, #tpu.memory_space<vmem>>, vector<1x512x1xf32>
    %get3A_10 = vector.shape_cast %get3A_9 : vector<1x512x1xf32> to vector<512x1xf32>
    %get3A_11 = arith.constant 1 : index
    %get3A_12 = arith.constant 0 : index
    %get3A_13 = arith.constant 0 : index
    %get3A_14 = vector.load %arg3[%get3A_11, %get3A_12, %get3A_13] : memref<2x512x1xf32, #tpu.memory_space<vmem>>, vector<1x512x1xf32>
    %get3A_15 = vector.shape_cast %get3A_14 : vector<1x512x1xf32> to vector<512x1xf32>
    %add3A = arith.addf %get3A_10, %get3A_15 : vector<512x1xf32>
    %add3A_16 = arith.constant 1.000000e+00 : f32
    %add3A_17 = vector.broadcast %add3A_16 : f32 to vector<512x1xf32>
    %add3A_18 = arith.addf %add3A, %add3A_17 : vector<512x1xf32>
    %rsqrt3A = math.rsqrt %add3A_18 : vector<512x1xf32>
    %mul3A = vector.broadcast %rsqrt3A : vector<512x1xf32> to vector<512x128xf32>
    %mul3A_19 = arith.mulf %dot_general3A_5, %mul3A : vector<512x128xf32>
    %swap3A = arith.constant 0 : index
    %swap3A_20 = arith.constant 0 : index
    %swap3A_21 = vector.load %arg4[%swap3A, %swap3A_20] : memref<512x128xf32, #tpu.memory_space<vmem>>, vector<512x128xf32>
    tpu.vector_store %arg4[%swap3A, %swap3A_20], %mul3A_19 {strides = array<i32>} : memref<512x128xf32, #tpu.memory_space<vmem>>, vector<512x128xf32>,
    return
  }
  func.func @transform_0(%arg0: i32) -> (i32, i32) {
    %c0_i32 = arith.constant 0 : i32
    %c0_i32_0 = arith.constant 0 : i32
    return %arg0, %c0_i32 : i32, i32
  }
  func.func @transform_1(%arg0: i32) -> (i32, i32) {
    %c0_i32 = arith.constant 0 : i32
    %c0_i32_0 = arith.constant 0 : i32
    %c0_i32_1 = arith.constant 0 : i32
    return %c0_i32, %c0_i32_0 : i32, i32
  }
  func.func @transform_2(%arg0: i32) -> (i32, i32, i32) {
    %c0_i32 = arith.constant 0 : i32
    %c0_i32_0 = arith.constant 0 : i32
    %c0_i32_1 = arith.constant 0 : i32
    return %c0_i32, %arg0, %c0_i32_0 : i32, i32, i32
  }
  func.func @transform_3(%arg0: i32) -> (i32, i32) {
    %c0_i32 = arith.constant 0 : i32
    %c0_i32_0 = arith.constant 0 : i32
    return %arg0, %c0_i32 : i32, i32
  }
}

module attributes {stable_mosaic.version = 14 : i64} {
  func.func @_ep_body(%arg0: i32, %arg1: memref<2x512x128xf32, #tpu.memory_space<vmem>>, %arg2: memref<512x128xf32, #tpu.memory_space<vmem>>, %arg3: memref<2x512x1xf32, #tpu.memory_space<vmem>>, %arg4: memref<1x128xf32, #tpu.memory_space<vmem>>, %arg5: memref<1x128xf32, #tpu.memory_space<vmem>>, %arg6: memref<1x128xf32, #tpu.memory_space<vmem>>, %arg7: memref<512x128xf32, #tpu.memory_space<vmem>>, %arg8: memref<10240x128xf32, #tpu.memory_space<vmem>>, %arg9: memref<8x128xf32, #tpu.memory_space<vmem>>) attributes {dimension_semantics = [#tpu.dimension_semantics<arbitrary>], iteration_bounds = array<i64: 40>, scalar_prefetch = 0 : i64, scratch_operands = 2 : i64, tpu.core_type = #tpu.core_type<tc>, window_params = [{transform_indices = @transform_0, window_bounds = array<i64: 2, 512, 128>}, {transform_indices = @transform_1, window_bounds = array<i64: 512, 128>}, {transform_indices = @transform_2, window_bounds = array<i64: 2, 512, 1>}, {pipeline_mode = #tpu.pipeline_mode<synchronous>, transform_indices = @transform_3, window_bounds = array<i64: 1, 128>}, {pipeline_mode = #tpu.pipeline_mode<synchronous>, transform_indices = @transform_4, window_bounds = array<i64: 1, 128>}, {pipeline_mode = #tpu.pipeline_mode<synchronous>, transform_indices = @transform_5, window_bounds = array<i64: 1, 128>}, {transform_indices = @transform_6, window_bounds = array<i64: 512, 128>}]} {
    %rem3A = arith.constant 20 : i32
    %rem3A_0 = arith.remsi %arg0, %rem3A : i32
    %mul3A = arith.constant 512 : i32
    %mul3A_1 = arith.muli %rem3A_0, %mul3A : i32
    %multiple_of3A = tpu.assume_multiple %mul3A_1, 512 : i32
    %eq3A = arith.constant 0 : i32
    %eq3A_2 = arith.cmpi eq, %arg0, %eq3A : i32
    %convert_element_type3A = arith.extui %eq3A_2 : i1 to i32
    %cond3A = arith.constant 0 : i32
    %cond3A_3 = arith.cmpi ne, %convert_element_type3A, %cond3A : i32
    scf.if %cond3A_3 {
      %broadcast_in_dim3A = arith.constant 0.000000e+00 : f32
      %broadcast_in_dim3A_12 = vector.broadcast %broadcast_in_dim3A : f32 to vector<8x128xf32>
      %swap3A = arith.constant 0 : index
      %swap3A_13 = arith.constant 0 : index
      %swap3A_14 = vector.load %arg9[%swap3A, %swap3A_13] : memref<8x128xf32, #tpu.memory_space<vmem>>, vector<8x128xf32>
      tpu.vector_store %arg9[%swap3A, %swap3A_13], %broadcast_in_dim3A_12 {strides = array<i32>} : memref<8x128xf32, #tpu.memory_space<vmem>>, vector<8x128xf32>,
    } else {
    }
    %lt3A = arith.constant 20 : i32
    %lt3A_4 = arith.cmpi slt, %arg0, %lt3A : i32
    %convert_element_type3A_5 = arith.extui %lt3A_4 : i1 to i32
    %cond3A_6 = arith.constant 0 : i32
    %cond3A_7 = arith.cmpi ne, %convert_element_type3A_5, %cond3A_6 : i32
    scf.if %cond3A_7 {
      %get3A = arith.constant 0 : index
      %get3A_12 = arith.constant 0 : index
      %get3A_13 = arith.constant 0 : index
      %get3A_14 = vector.load %arg3[%get3A, %get3A_12, %get3A_13] : memref<2x512x1xf32, #tpu.memory_space<vmem>>, vector<1x512x1xf32>
      %get3A_15 = vector.shape_cast %get3A_14 : vector<1x512x1xf32> to vector<512x1xf32>
      %get3A_16 = arith.constant 1 : index
      %get3A_17 = arith.constant 0 : index
      %get3A_18 = arith.constant 0 : index
      %get3A_19 = vector.load %arg3[%get3A_16, %get3A_17, %get3A_18] : memref<2x512x1xf32, #tpu.memory_space<vmem>>, vector<1x512x1xf32>
      %get3A_20 = vector.shape_cast %get3A_19 : vector<1x512x1xf32> to vector<512x1xf32>
      %add3A = arith.addf %get3A_15, %get3A_20 : vector<512x1xf32>
      %add3A_21 = arith.constant 1.000000e+00 : f32
      %add3A_22 = vector.broadcast %add3A_21 : f32 to vector<512x1xf32>
      %add3A_23 = arith.addf %add3A, %add3A_22 : vector<512x1xf32>
      %rsqrt3A = math.rsqrt %add3A_23 : vector<512x1xf32>
      %get3A_24 = arith.constant 0 : index
      %get3A_25 = arith.constant 0 : index
      %get3A_26 = arith.constant 0 : index
      %get3A_27 = vector.load %arg1[%get3A_24, %get3A_25, %get3A_26] : memref<2x512x128xf32, #tpu.memory_space<vmem>>, vector<1x512x128xf32>
      %get3A_28 = vector.shape_cast %get3A_27 : vector<1x512x128xf32> to vector<512x128xf32>
      %get3A_29 = arith.constant 1 : index
      %get3A_30 = arith.constant 0 : index
      %get3A_31 = arith.constant 0 : index
      %get3A_32 = vector.load %arg1[%get3A_29, %get3A_30, %get3A_31] : memref<2x512x128xf32, #tpu.memory_space<vmem>>, vector<1x512x128xf32>
      %get3A_33 = vector.shape_cast %get3A_32 : vector<1x512x128xf32> to vector<512x128xf32>
      %add3A_34 = arith.addf %get3A_28, %get3A_33 : vector<512x128xf32>
      %get3A_35 = arith.constant 0 : index
      %get3A_36 = arith.constant 0 : index
      %get3A_37 = vector.load %arg2[%get3A_35, %get3A_36] : memref<512x128xf32, #tpu.memory_space<vmem>>, vector<512x128xf32>
      %add3A_38 = arith.addf %add3A_34, %get3A_37 : vector<512x128xf32>
      %mul3A_39 = vector.broadcast %rsqrt3A : vector<512x1xf32> to vector<512x128xf32>
      %mul3A_40 = arith.mulf %mul3A_39, %add3A_38 : vector<512x128xf32>
      %get3A_41 = arith.constant 0 : index
      %get3A_42 = arith.constant 0 : index
      %get3A_43 = vector.load %arg4[%get3A_41, %get3A_42] : memref<1x128xf32, #tpu.memory_space<vmem>>, vector<1x128xf32>
      %add3A_44 = vector.broadcast %get3A_43 : vector<1x128xf32> to vector<512x128xf32>
      %add3A_45 = arith.addf %mul3A_40, %add3A_44 : vector<512x128xf32>
      %swap3A = arith.index_cast %multiple_of3A : i32 to index
      %swap3A_46 = arith.constant 0 : index
      %swap3A_47 = vector.load %arg8[%swap3A, %swap3A_46] : memref<10240x128xf32, #tpu.memory_space<vmem>>, vector<512x128xf32>
      tpu.vector_store %arg8[%swap3A, %swap3A_46], %add3A_45 {strides = array<i32>} : memref<10240x128xf32, #tpu.memory_space<vmem>>, vector<512x128xf32>,
      %mul3A_48 = arith.constant 512 : i32
      %mul3A_49 = arith.muli %rem3A_0, %mul3A_48 : i32
      %iota3A = tpu.iota {dimensions = array<i32: 0>} : vector<512x1xi32>
      %add3A_50 = vector.broadcast %mul3A_49 : i32 to vector<512x1xi32>
      %add3A_51 = arith.addi %add3A_50, %iota3A : vector<512x1xi32>
      %lt3A_52 = arith.constant 10000 : i32
      %lt3A_53 = vector.broadcast %lt3A_52 : i32 to vector<512x1xi32>
      %lt3A_54 = arith.cmpi slt, %add3A_51, %lt3A_53 : vector<512x1xi32>
      %jit3A = arith.constant 0.000000e+00 : f32
      %broadcast_in_dim3A = vector.shape_cast %lt3A_54 : vector<512x1xi1> to vector<512x1xi1>
      %broadcast_in_dim3A_55 = vector.broadcast %broadcast_in_dim3A : vector<512x1xi1> to vector<512x128xi1>
      %broadcast_in_dim3A_56 = vector.broadcast %jit3A : f32 to vector<512x128xf32>
      %select_n3A = arith.select %broadcast_in_dim3A_55, %add3A_45, %broadcast_in_dim3A_56 : vector<512x128xi1>, vector<512x128xf32>
      %get3A_57 = arith.constant 0 : index
      %get3A_58 = arith.constant 0 : index
      %get3A_59 = vector.load %arg9[%get3A_57, %get3A_58] : memref<8x128xf32, #tpu.memory_space<vmem>>, vector<1x128xf32>
      %reduce_sum3A = arith.constant dense<0.000000e+00> : vector<128xf32>
      %reduce_sum3A_60 = vector.multi_reduction <add>, %select_n3A, %reduce_sum3A [0] : vector<512x128xf32> to vector<128xf32>
      %broadcast_in_dim3A_61 = vector.shape_cast %reduce_sum3A_60 : vector<128xf32> to vector<1x128xf32>
      %add3A_62 = arith.addf %get3A_59, %broadcast_in_dim3A_61 : vector<1x128xf32>
      %swap3A_63 = arith.constant 0 : index
      %swap3A_64 = arith.constant 0 : index
      %swap3A_65 = vector.load %arg9[%swap3A_63, %swap3A_64] : memref<8x128xf32, #tpu.memory_space<vmem>>, vector<1x128xf32>
      tpu.vector_store %arg9[%swap3A_63, %swap3A_64], %add3A_62 {strides = array<i32>} : memref<8x128xf32, #tpu.memory_space<vmem>>, vector<1x128xf32>,
      %get3A_66 = arith.constant 1 : index
      %get3A_67 = arith.constant 0 : index
      %get3A_68 = vector.load %arg9[%get3A_66, %get3A_67] : memref<8x128xf32, #tpu.memory_space<vmem>>, vector<1x128xf32>
      %mul3A_69 = arith.mulf %select_n3A, %select_n3A : vector<512x128xf32>
      %reduce_sum3A_70 = arith.constant dense<0.000000e+00> : vector<128xf32>
      %reduce_sum3A_71 = vector.multi_reduction <add>, %mul3A_69, %reduce_sum3A_70 [0] : vector<512x128xf32> to vector<128xf32>
      %broadcast_in_dim3A_72 = vector.shape_cast %reduce_sum3A_71 : vector<128xf32> to vector<1x128xf32>
      %add3A_73 = arith.addf %get3A_68, %broadcast_in_dim3A_72 : vector<1x128xf32>
      %swap3A_74 = arith.constant 1 : index
      %swap3A_75 = arith.constant 0 : index
      %swap3A_76 = vector.load %arg9[%swap3A_74, %swap3A_75] : memref<8x128xf32, #tpu.memory_space<vmem>>, vector<1x128xf32>
      tpu.vector_store %arg9[%swap3A_74, %swap3A_75], %add3A_73 {strides = array<i32>} : memref<8x128xf32, #tpu.memory_space<vmem>>, vector<1x128xf32>,
    } else {
    }
    %ge3A = arith.constant 20 : i32
    %ge3A_8 = arith.cmpi sge, %arg0, %ge3A : i32
    %convert_element_type3A_9 = arith.extui %ge3A_8 : i1 to i32
    %cond3A_10 = arith.constant 0 : i32
    %cond3A_11 = arith.cmpi ne, %convert_element_type3A_9, %cond3A_10 : i32
    scf.if %cond3A_11 {
      %get3A = arith.constant 0 : index
      %get3A_12 = arith.constant 0 : index
      %get3A_13 = vector.load %arg9[%get3A, %get3A_12] : memref<8x128xf32, #tpu.memory_space<vmem>>, vector<1x128xf32>
      %mul3A_14 = arith.constant 9.99999974E-5 : f32
      %mul3A_15 = vector.broadcast %mul3A_14 : f32 to vector<1x128xf32>
      %mul3A_16 = arith.mulf %get3A_13, %mul3A_15 : vector<1x128xf32>
      %get3A_17 = arith.constant 1 : index
      %get3A_18 = arith.constant 0 : index
      %get3A_19 = vector.load %arg9[%get3A_17, %get3A_18] : memref<8x128xf32, #tpu.memory_space<vmem>>, vector<1x128xf32>
      %mul3A_20 = arith.constant 9.99999974E-5 : f32
      %mul3A_21 = vector.broadcast %mul3A_20 : f32 to vector<1x128xf32>
      %mul3A_22 = arith.mulf %get3A_19, %mul3A_21 : vector<1x128xf32>
      %mul3A_23 = arith.mulf %mul3A_16, %mul3A_16 : vector<1x128xf32>
      %sub3A = arith.subf %mul3A_22, %mul3A_23 : vector<1x128xf32>
      %add3A = arith.constant 9.99999974E-6 : f32
      %add3A_24 = vector.broadcast %add3A : f32 to vector<1x128xf32>
      %add3A_25 = arith.addf %sub3A, %add3A_24 : vector<1x128xf32>
      %rsqrt3A = math.rsqrt %add3A_25 : vector<1x128xf32>
      %get3A_26 = arith.constant 0 : index
      %get3A_27 = arith.constant 0 : index
      %get3A_28 = vector.load %arg5[%get3A_26, %get3A_27] : memref<1x128xf32, #tpu.memory_space<vmem>>, vector<1x128xf32>
      %mul3A_29 = arith.mulf %rsqrt3A, %get3A_28 : vector<1x128xf32>
      %get3A_30 = arith.index_cast %multiple_of3A : i32 to index
      %get3A_31 = arith.constant 0 : index
      %get3A_32 = vector.load %arg8[%get3A_30, %get3A_31] : memref<10240x128xf32, #tpu.memory_space<vmem>>, vector<512x128xf32>
      %sub3A_33 = vector.broadcast %mul3A_16 : vector<1x128xf32> to vector<512x128xf32>
      %sub3A_34 = arith.subf %get3A_32, %sub3A_33 : vector<512x128xf32>
      %mul3A_35 = vector.broadcast %mul3A_29 : vector<1x128xf32> to vector<512x128xf32>
      %mul3A_36 = arith.mulf %sub3A_34, %mul3A_35 : vector<512x128xf32>
      %get3A_37 = arith.constant 0 : index
      %get3A_38 = arith.constant 0 : index
      %get3A_39 = vector.load %arg6[%get3A_37, %get3A_38] : memref<1x128xf32, #tpu.memory_space<vmem>>, vector<1x128xf32>
      %add3A_40 = vector.broadcast %get3A_39 : vector<1x128xf32> to vector<512x128xf32>
      %add3A_41 = arith.addf %mul3A_36, %add3A_40 : vector<512x128xf32>
      %max3A = arith.constant 0.000000e+00 : f32
      %max3A_42 = vector.broadcast %max3A : f32 to vector<512x128xf32>
      %max3A_43 = arith.maximumf %add3A_41, %max3A_42 : vector<512x128xf32>
      %swap3A = arith.constant 0 : index
      %swap3A_44 = arith.constant 0 : index
      %swap3A_45 = vector.load %arg7[%swap3A, %swap3A_44] : memref<512x128xf32, #tpu.memory_space<vmem>>, vector<512x128xf32>
      tpu.vector_store %arg7[%swap3A, %swap3A_44], %max3A_43 {strides = array<i32>} : memref<512x128xf32, #tpu.memory_space<vmem>>, vector<512x128xf32>,
    } else {
    }
    return
  }
  func.func @transform_0(%arg0: i32) -> (i32, i32, i32) {
    %jit3A = arith.constant 20 : i32
    %eq3A = arith.constant 0 : i32
    %eq3A_0 = arith.cmpi eq, %jit3A, %eq3A : i32
    %jit3A_1 = arith.constant 1 : i32
    %select_n3A = arith.select %eq3A_0, %jit3A_1, %jit3A : i32
    %rem3A = arith.remsi %arg0, %select_n3A : i32
    %ne3A = arith.constant 0 : i32
    %ne3A_2 = arith.cmpi ne, %rem3A, %ne3A : i32
    %lt3A = arith.constant 0 : i32
    %lt3A_3 = arith.cmpi slt, %rem3A, %lt3A : i32
    %lt3A_4 = arith.constant 0 : i32
    %lt3A_5 = arith.cmpi slt, %select_n3A, %lt3A_4 : i32
    %ne3A_6 = arith.xori %lt3A_3, %lt3A_5 : i1
    %and3A = arith.andi %ne3A_6, %ne3A_2 : i1
    %add3A = arith.addi %rem3A, %select_n3A : i32
    %select_n3A_7 = arith.select %and3A, %add3A, %rem3A : i32
    %c0_i32 = arith.constant 0 : i32
    %c0_i32_8 = arith.constant 0 : i32
    %c0_i32_9 = arith.constant 0 : i32
    return %c0_i32, %select_n3A_7, %c0_i32_8 : i32, i32, i32
  }
  func.func @transform_1(%arg0: i32) -> (i32, i32) {
    %jit3A = arith.constant 20 : i32
    %eq3A = arith.constant 0 : i32
    %eq3A_0 = arith.cmpi eq, %jit3A, %eq3A : i32
    %jit3A_1 = arith.constant 1 : i32
    %select_n3A = arith.select %eq3A_0, %jit3A_1, %jit3A : i32
    %rem3A = arith.remsi %arg0, %select_n3A : i32
    %ne3A = arith.constant 0 : i32
    %ne3A_2 = arith.cmpi ne, %rem3A, %ne3A : i32
    %lt3A = arith.constant 0 : i32
    %lt3A_3 = arith.cmpi slt, %rem3A, %lt3A : i32
    %lt3A_4 = arith.constant 0 : i32
    %lt3A_5 = arith.cmpi slt, %select_n3A, %lt3A_4 : i32
    %ne3A_6 = arith.xori %lt3A_3, %lt3A_5 : i1
    %and3A = arith.andi %ne3A_6, %ne3A_2 : i1
    %add3A = arith.addi %rem3A, %select_n3A : i32
    %select_n3A_7 = arith.select %and3A, %add3A, %rem3A : i32
    %c0_i32 = arith.constant 0 : i32
    %c0_i32_8 = arith.constant 0 : i32
    return %select_n3A_7, %c0_i32 : i32, i32
  }
  func.func @transform_2(%arg0: i32) -> (i32, i32, i32) {
    %jit3A = arith.constant 20 : i32
    %eq3A = arith.constant 0 : i32
    %eq3A_0 = arith.cmpi eq, %jit3A, %eq3A : i32
    %jit3A_1 = arith.constant 1 : i32
    %select_n3A = arith.select %eq3A_0, %jit3A_1, %jit3A : i32
    %rem3A = arith.remsi %arg0, %select_n3A : i32
    %ne3A = arith.constant 0 : i32
    %ne3A_2 = arith.cmpi ne, %rem3A, %ne3A : i32
    %lt3A = arith.constant 0 : i32
    %lt3A_3 = arith.cmpi slt, %rem3A, %lt3A : i32
    %lt3A_4 = arith.constant 0 : i32
    %lt3A_5 = arith.cmpi slt, %select_n3A, %lt3A_4 : i32
    %ne3A_6 = arith.xori %lt3A_3, %lt3A_5 : i1
    %and3A = arith.andi %ne3A_6, %ne3A_2 : i1
    %add3A = arith.addi %rem3A, %select_n3A : i32
    %select_n3A_7 = arith.select %and3A, %add3A, %rem3A : i32
    %c0_i32 = arith.constant 0 : i32
    %c0_i32_8 = arith.constant 0 : i32
    %c0_i32_9 = arith.constant 0 : i32
    return %c0_i32, %select_n3A_7, %c0_i32_8 : i32, i32, i32
  }
  func.func @transform_3(%arg0: i32) -> (i32, i32) {
    %c0_i32 = arith.constant 0 : i32
    %c0_i32_0 = arith.constant 0 : i32
    %c0_i32_1 = arith.constant 0 : i32
    return %c0_i32, %c0_i32_0 : i32, i32
  }
  func.func @transform_4(%arg0: i32) -> (i32, i32) {
    %c0_i32 = arith.constant 0 : i32
    %c0_i32_0 = arith.constant 0 : i32
    %c0_i32_1 = arith.constant 0 : i32
    return %c0_i32, %c0_i32_0 : i32, i32
  }
  func.func @transform_5(%arg0: i32) -> (i32, i32) {
    %c0_i32 = arith.constant 0 : i32
    %c0_i32_0 = arith.constant 0 : i32
    %c0_i32_1 = arith.constant 0 : i32
    return %c0_i32, %c0_i32_0 : i32, i32
  }
  func.func @transform_6(%arg0: i32) -> (i32, i32) {
    %jit3A = arith.constant 20 : i32
    %eq3A = arith.constant 0 : i32
    %eq3A_0 = arith.cmpi eq, %jit3A, %eq3A : i32
    %jit3A_1 = arith.constant 1 : i32
    %select_n3A = arith.select %eq3A_0, %jit3A_1, %jit3A : i32
    %rem3A = arith.remsi %arg0, %select_n3A : i32
    %ne3A = arith.constant 0 : i32
    %ne3A_2 = arith.cmpi ne, %rem3A, %ne3A : i32
    %lt3A = arith.constant 0 : i32
    %lt3A_3 = arith.cmpi slt, %rem3A, %lt3A : i32
    %lt3A_4 = arith.constant 0 : i32
    %lt3A_5 = arith.cmpi slt, %select_n3A, %lt3A_4 : i32
    %ne3A_6 = arith.xori %lt3A_3, %lt3A_5 : i1
    %and3A = arith.andi %ne3A_6, %ne3A_2 : i1
    %add3A = arith.addi %rem3A, %select_n3A : i32
    %select_n3A_7 = arith.select %and3A, %add3A, %rem3A : i32
    %c0_i32 = arith.constant 0 : i32
    %c0_i32_8 = arith.constant 0 : i32
    return %select_n3A_7, %c0_i32 : i32, i32
  }
}

</mosaic_0001>

<sc_bundles>
// kernel: kernel.6.cloned.1.call-start
scs
__scs_entry_jumppad:
0x0: {  	(pc) =	sbr.rel $0x88, $3  }
0x1: {  	(tag) =	ssettag $0x0;
	lr =	simm.s32 $0x1  }
0x2: {  	[smem:$0x3F9B] =	sst lr;
	_ =	strace $0xD0000000  }
0x3: {  	_ = 	snop  }
0x4: {  	_ = 	snop  }
0x5: {  	_ = 	snop  }
0x6: {  	_ = 	snop  }
0x7: {  	_ = 	snop  }
__scs_overlays_trampoline_lowered:
0x8: {  	[smem:$0x3FAA] =	sst s0  }
0x9: {  	[smem:$0x3FAB] =	sst s1  }
0xa: {  	[smem:$0x3FAC] =	sst s2  }
0xb: {  	[smem:$0x3FAD] =	sst s3  }
0xc: {  	[smem:$0x3FAE] =	sst s4  }
0xd: {  	[smem:$0x3FAF] =	sst s5  }
0xe: {  	[smem:$0x3FB0] =	sst s6  }
0xf: {  	[smem:$0x3FB1] =	sst s7  }
0x10: {  	[smem:$0x3FB2] =	sst s8  }
0x11: {  	[smem:$0x3FB3] =	sst s9;
	s0 =	simm.s32 @!p0 $0x0  }
0x12: {  	s1 =	sld [smem:$0x3F99];
	s0 =	simm.s32 @p0 $0x1  }
0x13: {  	[smem:$0x3FB4] =	sst s0;
	s0 =	simm.s32 @!p1 $0x0  }
0x14: {  	s2 =	sld [smem:$0x3F98];
	s0 =	simm.s32 @p1 $0x1  }
0x15: {  	[smem:$0x3FB5] =	sst s0;
	s0 =	simm.s32 @!p2 $0x0  }
0x16: {  	s3 =	sld [smem:$0x3FDB];
	s0 =	simm.s32 @p2 $0x1  }
0x17: {  	s4 =	simm.s32 $0x1BF5;
	[smem:$0x3FB7] =	sst s0  }
0x18: {  	s0 =	sld [smem:$0x3F9A];
	_ =	swait.ge [sflag:s4], $0x0  }
0x19: {  	s7 =	sld [smem:$0x3F9B]  }
0x1a: {  	s8 =	sadd.s32 $0xFFFFE003, lr  }
0x1b: {  	s9 =	sadd.s32 $0xFFFFFEF7, lr;
	s5 =	simm.s32 $0xFFFFFFFF;
	p2 =	slt.u32 s8, $0xFFFFF086  }
0x1c: {  	p1 =	slt.u32 s9, $0xF7A;
	s5 =	simm.s32 @!p2 $0x0  }
0x1d: {  	s5 =	simm.s32 @p1 $0x1;
	p0 =	seq.s32 s7, s2  }
0x1e: {  	s7 =	smul.u32 @!p0 $0xF7A, s2;
	p2 =	seq.s32 @!p0 s5, $0x0  }
0x1f: {  	s9 =	smul.u32 $0xF7A, s1;
	s8 =	simm.s32 @!p0 $0x1BF5;
	p2 =	por !p2, p0  }
0x20: {  	[sflag:s8] =	ssyncset.s32 @!p0 $0xFFFFF086;
	s6 =	sadd.s32 @!p0 s3, s7;
	s7 =	simm.s32 @!p0 $0x108  }
0x21: {  	s3 =	sadd.s32 s3, s9;
	s6 =	sadd.s32 @!p0 $0x88, s6;
	s7 =	simm.s32 @p2 $0x1082  }
0x22: {  	[simem:s7], [sflag:s8] =	dma.local @!p0 [hbm:s6], $0xF7A  }
0x23: {  	s9 =	sor.u32 $0xD0000000, s2;
	s6 =	simm.s32 $0x108;
	_ =	swait.ge @!p0 [sflag:s8], $0x0  }
0x24: {  	s3 =	sadd.s32 $0x88, s3;
	s6 =	simm.s32 @!p1 $0x1082;
	[sflag:s4] =	ssyncset.s32 $0xFFFFF086  }
0x25: {  	[simem:s6], [sflag:s4] =	dma.local [hbm:s3], $0xF7A  }
0x26: {  	[smem:$0x3F9B] =	sst s1;
	(tag) =	ssettag s2;
	_ =	strace s9  }
0x27: {  	s1 =	sld [smem:$0x3FAB]  }
0x28: {  	s2 =	sld [smem:$0x3FAC]  }
0x29: {  	s4 =	sld [smem:$0x3FAE]  }
0x2a: {  	p0 =	seq.s32 s5, $0x0;
	s5 =	sld [smem:$0x3FAF]  }
0x2b: {  	s6 =	sld [smem:$0x3FB0]  }
0x2c: {  	s7 =	sld [smem:$0x3FB1]  }
0x2d: {  	s3 =	simm.s32 $0x108;
	s8 =	sld [smem:$0x3FB2]  }
0x2e: {  	s3 =	simm.s32 @!p0 $0x1082;
	s9 =	sld [smem:$0x3FB3]  }
0x2f: {  	lr =	sadd.s32 s0, s3;
	s0 =	sld [smem:$0x3FAA]  }
0x30: {  	s3 =	sld [smem:$0x3FAD]  }
0x31: {  	[smem:$0x3FB6] =	sst s10  }
0x32: {  	s10 =	sld [smem:$0x3FB4];
	_ =	sdelay $0x3  }
0x33: {  	p0 =	seq.s32 s10, $0x1;
	s10 =	sld [smem:$0x3FB6];
	_ =	sdelay $0x3  }
0x34: {  	[smem:$0x3FB6] =	sst s10  }
0x35: {  	s10 =	sld [smem:$0x3FB5];
	_ =	sdelay $0x3  }
0x36: {  	p1 =	seq.s32 s10, $0x1;
	s10 =	sld [smem:$0x3FB6];
	_ =	sdelay $0x3  }
0x37: {  	[smem:$0x3FB6] =	sst s10  }
0x38: {  	s10 =	sld [smem:$0x3FB7]  }
0x39: {  	_ = 	snop;
	(pc) =	sbr.ind lr, $3  }
0x3a: {  	_ = 	snop  }
0x3b: {  	_ = 	snop  }
0x3c: {  	p2 =	seq.s32 s10, $0x1;
	s10 =	sld [smem:$0x3FB6]  }
0x3d: {  	_ =	shalt  }
0x3e: {  	_ =	shalt  }
0x3f: {  	_ =	shalt  }
0x40: {  	_ =	shalt  }
0x41: {  	_ =	shalt  }
0x42: {  	_ =	shalt  }
0x43: {  	_ =	shalt  }
0x44: {  	_ =	shalt  }
0x45: {  	_ =	shalt  }
0x46: {  	_ =	shalt  }
0x47: {  	_ =	shalt  }
0x48: {  	_ =	shalt  }
0x49: {  	_ =	shalt  }
0x4a: {  	_ =	shalt  }
0x4b: {  	_ =	shalt  }
0x4c: {  	_ =	shalt  }
0x4d: {  	_ =	shalt  }
0x4e: {  	_ =	shalt  }
0x4f: {  	_ =	shalt  }
0x50: {  	_ =	shalt  }
0x51: {  	_ =	shalt  }
0x52: {  	_ =	shalt  }
0x53: {  	_ =	shalt  }
0x54: {  	_ =	shalt  }
0x55: {  	_ =	shalt  }
0x56: {  	_ =	shalt  }
0x57: {  	_ =	shalt  }
0x58: {  	_ =	shalt  }
0x59: {  	_ =	shalt  }
0x5a: {  	_ =	shalt  }
0x5b: {  	_ =	shalt  }
0x5c: {  	_ =	shalt  }
0x5d: {  	_ =	shalt  }
0x5e: {  	_ =	shalt  }
0x5f: {  	_ =	shalt  }
0x60: {  	_ =	shalt  }
0x61: {  	_ =	shalt  }
0x62: {  	_ =	shalt  }
0x63: {  	_ =	shalt  }
0x64: {  	_ =	shalt  }
0x65: {  	_ =	shalt  }
0x66: {  	_ =	shalt  }
0x67: {  	_ =	shalt  }
0x68: {  	_ =	shalt  }
0x69: {  	_ =	shalt  }
0x6a: {  	_ =	shalt  }
0x6b: {  	_ =	shalt  }
0x6c: {  	_ =	shalt  }
0x6d: {  	_ =	shalt  }
0x6e: {  	_ =	shalt  }
0x6f: {  	_ =	shalt  }
0x70: {  	_ =	shalt  }
0x71: {  	_ =	shalt  }
0x72: {  	_ =	shalt  }
0x73: {  	_ =	shalt  }
0x74: {  	_ =	shalt  }
0x75: {  	_ =	shalt  }
0x76: {  	_ =	shalt  }
0x77: {  	_ =	shalt  }
0x78: {  	_ =	shalt  }
0x79: {  	_ =	shalt  }
0x7a: {  	_ =	shalt  }
0x7b: {  	_ =	shalt  }
0x7c: {  	_ =	shalt  }
0x7d: {  	_ =	shalt  }
0x7e: {  	_ =	shalt  }
0x7f: {  	_ =	shalt  }
0x80: {  	_ =	shalt  }
0x81: {  	_ =	shalt  }
0x82: {  	_ =	shalt  }
0x83: {  	_ =	shalt  }
0x84: {  	_ =	shalt  }
0x85: {  	_ =	shalt  }
0x86: {  	_ =	shalt  }
0x87: {  	_ =	shalt  }
.Lfunc_end0:
.L_simem_size_0:
called_computation_lowered:
.L_overlay_start_0:
0x88: {  	s2 =	sld [smem:$0x3FD9]  }
0x89: {  	s3 =	sld [smem:$0x3FFE];
	_ =	sdelay $0x1  }
0x8a: {  	s1 =	srdreg.scid  }
0x8b: {  	s0 =	sand.u32 $0x1, s1  }
0x8c: {  	s17 =	sshll.u32 s0, $0xA;
	s2 =	sadd.s32 s3, s2  }
0x8d: {  	s2 =	sadd.s32 s2, s17  }
0x8e: {  	[smem:$0x3FC2] =	sst s2  }
0x8f: {  	_ = 	snop  }
0x90: {  	s2 =	sld [smem:$0x3FD0];
	(tm) =	ssettm $0x1  }
0x91: {  	s18 =	sld [smem:$0x3FFB];
	_ =	sdelay $0x3  }
0x92: {  	_ =	strace s18  }
0x93: {  	s3 =	sld [smem:$0x3FFC];
	_ =	sdelay $0x3  }
0x94: {  	_ =	strace s3  }
0x95: {  	s3 =	sld [smem:$0x3FFD];
	_ =	sdelay $0x3  }
0x96: {  	_ =	strace s3  }
0x97: {  	_ =	strace $0x8FFFFFFF  }
0x98: {  	s19 =	sld [smem:$0x3FDB];
	_ =	sdelay $0x1  }
0x99: {  	s4 =	simm.s32 $_scs_section_size  }
0x9a: {  	s5 =	simm.s32 $_size__tile_overlayer_lowered;
	s6 =	simm.s32 $_tile_overlayer_lowered  }
0x9b: {  	s22 =	simm.s32 $0x1BFF;
	s21 =	sshll.u32 s6, $0x1;
	s3 =	sadd.s32 s4, s19  }
0x9c: {  	s7 =	simm.s32 $0x0;
	s20 =	sshll.u32 s5, $0x1;
	s5 =	sadd.s32 s21, s3  }
0x9d: {  	[timem:s7], [sflag:s22] =	dma.local [hbm:s5], s20  }
0x9e: {  	_ =	swait.ge [sflag:s22], s20  }
0x9f: {  	s4 =	ssub.s32 $0x0, s20;
	[sflag:s22] =	ssyncset.done $0x0  }
0xa0: {  	[sflag:s22] =	ssyncadd.s32 s4;
	_ =	sdelay $0x1  }
0xa1: {  	s23 =	simm.s32 $0x1B8B  }
0xa2: {  	_ =	swait.ge [sflag:s23], $0x1  }
0xa3: {  	[sflag:s23] =	ssyncset.done $0x0  }
0xa4: {  	s25 =	simm.s32 $0x1B8E;
	s24 =	sld [smem:$0x3FFE];
	[sflag:s23] =	ssyncadd.s32 $0xFFFFFFFF  }
0xa5: {  	s26 =	simm.s32 $execute0_lowered;
	[smem:$0x3FD2] =	sst s25  }
0xa6: {  	s5 =	sshll.u32 s26, $0x1;
	_ =	strace $0x80000046;
	[dreg:$0x1] =	wrdreg $0xFFFFFFFF  }
0xa7: {  	s28 =	simm.s32 $_size_execute0_lowered;
	s3 =	sadd.s32 s3, s5;
	[dreg:$0x0] =	wrdreg $0x0  }
0xa8: {  	s5 =	sshll.u32 s28, $0x1;
	[dreg:$0x2] =	wrdreg s3  }
0xa9: {  	[dreg:$0x3] =	wrdreg s5  }
0xaa: {  	[dreg:$0x4] =	wrdreg $0xC0  }
0xab: {  	_ =	task [dreg:s7], $0x5FFFF  }
0xac: {  	[dreg:$0x1] =	wrdreg $0xFFFFFFFF  }
0xad: {  	[dreg:$0x0] =	wrdreg $0x60  }
0xae: {  	[dreg:$0x2] =	wrdreg s24  }
0xaf: {  	[dreg:$0x3] =	wrdreg s2  }
0xb0: {  	[dreg:$0x4] =	wrdreg $0x55000  }
0xb1: {  	[dreg:$0x5] =	wrdreg $0x9  }
0xb2: {  	_ =	task.clear_ibuf [dreg:s7], $0x6FFFF;
	_ =	strace $0x90000046  }
0xb3: {  	s29 =	simm.s32 $0x9;
	_ =	strace $0x80000048  }
0xb4: {  	_ =	swait.ge [sflag:s29], $0x1  }
0xb5: {  	[sflag:s29] =	ssyncadd.s32 $0xFFFFFFFF  }
0xb6: {  	_ =	strace $0x90000048  }
0xb7: {  	_ =	sfence  }
0xb8: {  	s30 =	sld [smem:$0x0];
	_ =	sdelay $0x2  }
0xb9: {  	s31 =	sshll.u32 s1, $0xD;
	s1 =	sshrl.u32 s1, $0x2  }
0xba: {  	s3 =	sand.u32 $0x4000, s31;
	s1 =	sadd.s32 s1, s30  }
0xbb: {  	s0 =	sor.u32 s3, s0;
	s1 =	sshll.u32 s1, $0x11  }
0xbc: {  	s0 =	sor.u32 s1, s0  }
0xbd: {  	s0 =	sadd.s32 $0x8F2B, s0  }
0xbe: {  	[sflag:s0] =	ssyncadd.remote.s32 $0x1  }
0xbf: {  	_ =	sfence.sel $0xFFFF  }
0xc0: {  	[dreg:$0x0] =	wrdreg $0xFFFFFFFF;
	(pc) =	sbr.abs _section_cstart, $3  }
0xc1: {  	[dreg:$0x1] =	wrdreg $0xFFFFFFFF  }
0xc2: {  	_ =	task.clear_ibuf [dreg:s7], $0x2FFFF;
	_ =	strace $0x9FFFFFFF  }
0xc3: {  	(tm) =	ssettm $0x7FFFFFFF  }
tec
execute0_lowered:
.L_overlay_start_1:
0x0: {  	(tag) =	ssettag $0x1  }
0x1: {  	s3 =	rddreg [dreg:$0x0]  }
0x2: {  	s7 =	rddreg [dreg:$0x1]  }
0x3: {  	s0 =	srdreg.scid;
	s6 =	rddreg [dreg:$0x2]  }
0x4: {  	s1 =	stileid.u32;
	s2 =	simm.s32 $0x0;
	s13 =	simm.s32 $0x5280  }
0x5: {  	s14 =	simm.s32 $0x5000;
	s5 =	sand.u32 $0x1, s0;
	s0 =	rddreg [dreg:$0x3]  }
0x6: {  	s15 =	simm.s32 $0x100;
	s16 =	simm.s32 $0x0;
	[smem:$0x7FF] =	sst s2  }
0x7: {  	s9 =	sshrl.u32 s1, $0x3;
	s29 =	smul.u32 $0x500, s1;
	s11 =	sshll.u32 s1, $0x7  }
0x8: {  	s12 =	smul.u32 $0x5000, s1;
	s4 =	sshll.u32 s5, $0x4;
	_ =	strace $0x80000047  }
0x9: {  	s8 =	ssub.s32 $0x2, s5;
	s9 =	smul.u32 $0x50000, s9;
	s5 =	sshll.u32 s5, $0x7  }
0xa: {  	s11 =	sand.u32 $0x380, s11;
	s4 =	sor.u32 s1, s4;
	s10 =	sshrl.u32 s8, $0x1  }
0xb: {  	s5 =	sor.u32 s5, s29;
	s30 =	sshrl.u32 s12, $0x2;
	s12 =	simm.s32 $0x400  }
0xc: {  	s4 =	smul.u32 $0x500, s4;
	s8 =	ssub.s32 s8, s10;
	s9 =	sshrl.u32 s9, $0x2  }
0xd: {  	s31 =	sshrl.u32 s5, $0x3;
	s10 =	simm.s32 $0x1;
	s9 =	sadd.s32 s9, s6  }
0xe: {  	s6 =	sadd.s32 s30, s6;
	s7 =	sadd.s32 s7, s31;
	s8 =	smax.u32 s8, $0x1  }
0xf: {  	s4 =	sadd.s32 s4, s3;
	s3 =	sadd.s32 $0xBE00, s3;
	s5 =	sadd.s32 s11, s9  }
0x10: {  	v0 =	vimm.f32 $1.000000000e+00;
	s9 =	simm.s32 $0x2800;
	s11 =	simm.s32 $0x80;
	s4 =	sadd.s32 $0x1E00, s4  }
.LBB2_1:
0x11: {  	[tilespmem:s9], [sflag:$0x1] =	stream.linear.gather [hbm4b:s3+s2], $0x2800, $0x38;
	[tilespmem:$0x7D00] =	vst v63  }
0x12: {  	_ =	swait.ge [sflag:s10], $0x2800  }
0x13: {  	[sflag:s10] =	ssyncset.done $0x0  }
0x14: {  	[sflag:s10] =	ssyncadd.s32 $0xFFFFD800  }
0x15: {  	[tilespmem:s2], [sflag:$0x1] =	stream.linear.gather [hbm4b:s4+s2], $0x2800, $0x38;
	[tilespmem:$0x7D00] =	vst v63  }
0x16: {  	_ =	swait.ge [sflag:s10], $0x2800  }
0x17: {  	[sflag:s10] =	ssyncset.done $0x0  }
0x18: {  	s18 =	simm.s32 $0x0;
	s17 =	simm.s32 $0x40;
	[sflag:s10] =	ssyncadd.s32 $0xFFFFD800  }
.LBB2_2:
0x19: {  	p0 =	sne.s32 s17, $0x9FC0;
	v1 =	vld [tilespmem:s18+$0x0];
	_ =	sdelay $0x3  }
.Ltmp0:
0x1a: {  	(pc) =	sbr.rel @p0 .LBB2_2-.Ltmp0, $2  }
0x1b: {  	_ =	sdelay $0x2  }
0x1c: {  	s18 =	sshra.s32 s17, $0x2;
	s17 =	sadd.s32 $0x40, s17;
	[tilespmem:v1+s9+$0x0] =	vst.idx.add.f32.msk $0xffff, v0  }
0x1d: {  	v1 =	vld [tilespmem:s18+$0x0];
	_ =	sdelay $0x7  }
0x1e: {  	s17 =	simm.s32 $0x1;
	[tilespmem:v1+s9+$0x0] =	vst.idx.add.f32.msk $0xffff, v0  }
0x1f: {  	[spmem:s5] =	stream.strided.scatter [tilespmem:s9], [sflag:$0x1], $0x2800, s12, s11, $0x38;
	[tilespmem:$0x7D00] =	vst v63  }
0x20: {  	_ =	swait.ge [sflag:s17], $0x2800  }
0x21: {  	[sflag:s17] =	ssyncset.done $0x0  }
0x22: {  	[sflag:s17] =	ssyncadd.s32 $0xFFFFD800  }
0x23: {  	[bflag:$0x0] =	sbarrier.arrive $0xFFFF  }
0x24: {  	[tilespmem:s13], [sflag:$0x1] =	stream.strided.gather [spmem:s6], $0x280, s12, s11, $0x38;
	[tilespmem:$0x7D00] =	vst v63  }
0x25: {  	_ =	swait.ge [sflag:s17], $0x280  }
0x26: {  	[sflag:s17] =	ssyncset.done $0x0  }
0x27: {  	[sflag:s17] =	ssyncadd.s32 $0xFFFFFD80  }
.LBB2_4:
0x28: {  	s18 =	sshrl.u32 s17, $0x3  }
0x29: {  	s18 =	smul.u32 $0x50000, s18;
	_ =	sdelay $0x1  }
0x2a: {  	s19 =	sshll.u32 s17, $0x7;
	s18 =	sshra.s32 s18, $0x2  }
0x2b: {  	s19 =	sand.u32 $0x380, s19;
	s18 =	sadd.s32 s18, s6  }
0x2c: {  	s18 =	sadd.s32 s19, s18  }
0x2d: {  	[tilespmem:s14], [sflag:$0x1] =	stream.strided.gather [spmem:s18], $0x280, s12, s11, $0x38;
	[tilespmem:$0x7D00] =	vst v63  }
0x2e: {  	_ =	swait.ge [sflag:s10], $0x280  }
0x2f: {  	[sflag:s10] =	ssyncset.done $0x0  }
0x30: {  	s18 =	simm.s32 $0x0;
	[sflag:s10] =	ssyncadd.s32 $0xFFFFFD80  }
0x31: {  	s19 =	simm.s32 $0x40;
	v1 =	vld [tilespmem:s18+$0x5000]  }
.LBB2_5:
0x32: {  	p0 =	sne.s32 s19, $0x9C0;
	v2 =	vld [tilespmem:s18+$0x5280];
	_ =	sdelay $0x2  }
.Ltmp1:
0x33: {  	(pc) =	sbr.rel @p0 .LBB2_5-.Ltmp1, $4  }
0x34: {  	_ = 	snop  }
0x35: {  	v2 =	vadd.f32 v1, v2  }
0x36: {  	s20 =	sshra.s32 s19, $0x2  }
0x37: {  	s19 =	sadd.s32 $0x40, s19;
	v1 =	vld [tilespmem:s20+$0x5000];
	[tilespmem:s18+$0x5280] =	vst v2;
	s18 =	smov.u32 s20  }
0x38: {  	v2 =	vld [tilespmem:s18+$0x5280]  }
0x39: {  	s17 =	sadd.s32 $0x1, s17  }
0x3a: {  	p0 =	sne.s32 s17, $0x10  }
.Ltmp2:
0x3b: {  	_ = 	snop;
	(pc) =	sbr.rel @p0 .LBB2_4-.Ltmp2, $3  }
0x3c: {  	_ = 	snop  }
0x3d: {  	v1 =	vadd.f32 v1, v2;
	_ =	sdelay $0x1  }
0x3e: {  	[tilespmem:s18+$0x5280] =	vst v1  }
0x3f: {  	s16 =	sadd.s32 $0x1, s16  }
0x40: {  	p0 =	sne.s32 s16, s8  }
.Ltmp3:
0x41: {  	_ = 	snop;
	(pc) =	sbr.rel @p0 .LBB2_1-.Ltmp3, $4  }
0x42: {  	[hbm4b:s7+s11] =	stream.strided.scatter [tilespmem:s13], [sflag:$0x1], $0x280, s15, s11, $0x38;
	[tilespmem:$0x7D00] =	vst v63  }
0x43: {  	_ =	swait.ge [sflag:s10], $0x280  }
0x44: {  	[sflag:s10] =	ssyncset.done $0x0  }
0x45: {  	[sflag:s10] =	ssyncadd.s32 $0xFFFFFD80  }
0x46: {  	_ =	sfence.sel $0x180000  }
0x47: {  	[bflag:$0x0] =	sbarrier.arrive $0xFFFF  }
0x48: {  	p0 =	sne.s32 s1, $0x0;
	_ =	strace $0x90000047  }
0x49: {  	s0 =	sadd.s32 @!p0 $0x100000, s0;
	[bflag:$0x2] =	sbarrier.arrive $0xFFFF  }
0x4a: {  	[sflag:s0] =	ssyncadd.tile.s32 @!p0 $0x1;
	_ =	shalt  }
.Lfunc_end2:
_tile_overlayer_lowered:
.L_overlay_start_2:
0x4b: {  	(tag) =	ssettag $0x2  }
0x4c: {  	s0 =	rddreg [dreg:$0x0];
	s2 =	stileid.u32  }
0x4d: {  	s1 =	rddreg [dreg:$0x1];
	p0 =	sne.s32 s2, $0x0  }
0x4e: {  	s3 =	rddreg [dreg:$0x2];
	[bflag:$0x3] =	sbarrier.arrive $0xFFFF;
	s2 =	simm.s32 @!p0 $0x1C01  }
0x4f: {  	[timem:s3], [sflag:s2] =	dma.local @!p0 [hbm:s0], s1  }
0x50: {  	s0 =	simm.s32 @!p0 $0x1  }
0x51: {  	_ =	swait.ge @!p0 [sflag:s0], s1  }
0x52: {  	s1 =	ssub.s32 @!p0 $0x0, s1;
	[sflag:s0] =	ssyncset.done @!p0 $0x0  }
0x53: {  	[sflag:s0] =	ssyncadd.s32 @!p0 s1  }
0x54: {  	[bflag:$0x3] =	sbarrier.arrive $0xFFFF  }
0x55: {  	_ =	shalt  }

// kernel: kernel.9.cloned.1.call-start
scs
__scs_entry_jumppad:
0x0: {  	(pc) =	sbr.rel $0x88, $3  }
0x1: {  	(tag) =	ssettag $0x0;
	lr =	simm.s32 $0x1  }
0x2: {  	[smem:$0x3F9B] =	sst lr;
	_ =	strace $0xD0000000  }
0x3: {  	_ = 	snop  }
0x4: {  	_ = 	snop  }
0x5: {  	_ = 	snop  }
0x6: {  	_ = 	snop  }
0x7: {  	_ = 	snop  }
__scs_overlays_trampoline_lowered:
0x8: {  	[smem:$0x3FAA] =	sst s0  }
0x9: {  	[smem:$0x3FAB] =	sst s1  }
0xa: {  	[smem:$0x3FAC] =	sst s2  }
0xb: {  	[smem:$0x3FAD] =	sst s3  }
0xc: {  	[smem:$0x3FAE] =	sst s4  }
0xd: {  	[smem:$0x3FAF] =	sst s5  }
0xe: {  	[smem:$0x3FB0] =	sst s6  }
0xf: {  	[smem:$0x3FB1] =	sst s7  }
0x10: {  	[smem:$0x3FB2] =	sst s8  }
0x11: {  	[smem:$0x3FB3] =	sst s9;
	s0 =	simm.s32 @!p0 $0x0  }
0x12: {  	s1 =	sld [smem:$0x3F99];
	s0 =	simm.s32 @p0 $0x1  }
0x13: {  	[smem:$0x3FB4] =	sst s0;
	s0 =	simm.s32 @!p1 $0x0  }
0x14: {  	s2 =	sld [smem:$0x3F98];
	s0 =	simm.s32 @p1 $0x1  }
0x15: {  	[smem:$0x3FB5] =	sst s0;
	s0 =	simm.s32 @!p2 $0x0  }
0x16: {  	s3 =	sld [smem:$0x3FDB];
	s0 =	simm.s32 @p2 $0x1  }
0x17: {  	s4 =	simm.s32 $0x1BF5;
	[smem:$0x3FB7] =	sst s0  }
0x18: {  	s0 =	sld [smem:$0x3F9A];
	_ =	swait.ge [sflag:s4], $0x0  }
0x19: {  	s7 =	sld [smem:$0x3F9B]  }
0x1a: {  	s8 =	sadd.s32 $0xFFFFE003, lr  }
0x1b: {  	s9 =	sadd.s32 $0xFFFFFEF7, lr;
	s5 =	simm.s32 $0xFFFFFFFF;
	p2 =	slt.u32 s8, $0xFFFFF086  }
0x1c: {  	p1 =	slt.u32 s9, $0xF7A;
	s5 =	simm.s32 @!p2 $0x0  }
0x1d: {  	s5 =	simm.s32 @p1 $0x1;
	p0 =	seq.s32 s7, s2  }
0x1e: {  	s7 =	smul.u32 @!p0 $0xF7A, s2;
	p2 =	seq.s32 @!p0 s5, $0x0  }
0x1f: {  	s9 =	smul.u32 $0xF7A, s1;
	s8 =	simm.s32 @!p0 $0x1BF5;
	p2 =	por !p2, p0  }
0x20: {  	[sflag:s8] =	ssyncset.s32 @!p0 $0xFFFFF086;
	s6 =	sadd.s32 @!p0 s3, s7;
	s7 =	simm.s32 @!p0 $0x108  }
0x21: {  	s3 =	sadd.s32 s3, s9;
	s6 =	sadd.s32 @!p0 $0x88, s6;
	s7 =	simm.s32 @p2 $0x1082  }
0x22: {  	[simem:s7], [sflag:s8] =	dma.local @!p0 [hbm:s6], $0xF7A  }
0x23: {  	s9 =	sor.u32 $0xD0000000, s2;
	s6 =	simm.s32 $0x108;
	_ =	swait.ge @!p0 [sflag:s8], $0x0  }
0x24: {  	s3 =	sadd.s32 $0x88, s3;
	s6 =	simm.s32 @!p1 $0x1082;
	[sflag:s4] =	ssyncset.s32 $0xFFFFF086  }
0x25: {  	[simem:s6], [sflag:s4] =	dma.local [hbm:s3], $0xF7A  }
0x26: {  	[smem:$0x3F9B] =	sst s1;
	(tag) =	ssettag s2;
	_ =	strace s9  }
0x27: {  	s1 =	sld [smem:$0x3FAB]  }
0x28: {  	s2 =	sld [smem:$0x3FAC]  }
0x29: {  	s4 =	sld [smem:$0x3FAE]  }
0x2a: {  	p0 =	seq.s32 s5, $0x0;
	s5 =	sld [smem:$0x3FAF]  }
0x2b: {  	s6 =	sld [smem:$0x3FB0]  }
0x2c: {  	s7 =	sld [smem:$0x3FB1]  }
0x2d: {  	s3 =	simm.s32 $0x108;
	s8 =	sld [smem:$0x3FB2]  }
0x2e: {  	s3 =	simm.s32 @!p0 $0x1082;
	s9 =	sld [smem:$0x3FB3]  }
0x2f: {  	lr =	sadd.s32 s0, s3;
	s0 =	sld [smem:$0x3FAA]  }
0x30: {  	s3 =	sld [smem:$0x3FAD]  }
0x31: {  	[smem:$0x3FB6] =	sst s10  }
0x32: {  	s10 =	sld [smem:$0x3FB4];
	_ =	sdelay $0x3  }
0x33: {  	p0 =	seq.s32 s10, $0x1;
	s10 =	sld [smem:$0x3FB6];
	_ =	sdelay $0x3  }
0x34: {  	[smem:$0x3FB6] =	sst s10  }
0x35: {  	s10 =	sld [smem:$0x3FB5];
	_ =	sdelay $0x3  }
0x36: {  	p1 =	seq.s32 s10, $0x1;
	s10 =	sld [smem:$0x3FB6];
	_ =	sdelay $0x3  }
0x37: {  	[smem:$0x3FB6] =	sst s10  }
0x38: {  	s10 =	sld [smem:$0x3FB7]  }
0x39: {  	_ = 	snop;
	(pc) =	sbr.ind lr, $3  }
0x3a: {  	_ = 	snop  }
0x3b: {  	_ = 	snop  }
0x3c: {  	p2 =	seq.s32 s10, $0x1;
	s10 =	sld [smem:$0x3FB6]  }
0x3d: {  	_ =	shalt  }
0x3e: {  	_ =	shalt  }
0x3f: {  	_ =	shalt  }
0x40: {  	_ =	shalt  }
0x41: {  	_ =	shalt  }
0x42: {  	_ =	shalt  }
0x43: {  	_ =	shalt  }
0x44: {  	_ =	shalt  }
0x45: {  	_ =	shalt  }
0x46: {  	_ =	shalt  }
0x47: {  	_ =	shalt  }
0x48: {  	_ =	shalt  }
0x49: {  	_ =	shalt  }
0x4a: {  	_ =	shalt  }
0x4b: {  	_ =	shalt  }
0x4c: {  	_ =	shalt  }
0x4d: {  	_ =	shalt  }
0x4e: {  	_ =	shalt  }
0x4f: {  	_ =	shalt  }
0x50: {  	_ =	shalt  }
0x51: {  	_ =	shalt  }
0x52: {  	_ =	shalt  }
0x53: {  	_ =	shalt  }
0x54: {  	_ =	shalt  }
0x55: {  	_ =	shalt  }
0x56: {  	_ =	shalt  }
0x57: {  	_ =	shalt  }
0x58: {  	_ =	shalt  }
0x59: {  	_ =	shalt  }
0x5a: {  	_ =	shalt  }
0x5b: {  	_ =	shalt  }
0x5c: {  	_ =	shalt  }
0x5d: {  	_ =	shalt  }
0x5e: {  	_ =	shalt  }
0x5f: {  	_ =	shalt  }
0x60: {  	_ =	shalt  }
0x61: {  	_ =	shalt  }
0x62: {  	_ =	shalt  }
0x63: {  	_ =	shalt  }
0x64: {  	_ =	shalt  }
0x65: {  	_ =	shalt  }
0x66: {  	_ =	shalt  }
0x67: {  	_ =	shalt  }
0x68: {  	_ =	shalt  }
0x69: {  	_ =	shalt  }
0x6a: {  	_ =	shalt  }
0x6b: {  	_ =	shalt  }
0x6c: {  	_ =	shalt  }
0x6d: {  	_ =	shalt  }
0x6e: {  	_ =	shalt  }
0x6f: {  	_ =	shalt  }
0x70: {  	_ =	shalt  }
0x71: {  	_ =	shalt  }
0x72: {  	_ =	shalt  }
0x73: {  	_ =	shalt  }
0x74: {  	_ =	shalt  }
0x75: {  	_ =	shalt  }
0x76: {  	_ =	shalt  }
0x77: {  	_ =	shalt  }
0x78: {  	_ =	shalt  }
0x79: {  	_ =	shalt  }
0x7a: {  	_ =	shalt  }
0x7b: {  	_ =	shalt  }
0x7c: {  	_ =	shalt  }
0x7d: {  	_ =	shalt  }
0x7e: {  	_ =	shalt  }
0x7f: {  	_ =	shalt  }
0x80: {  	_ =	shalt  }
0x81: {  	_ =	shalt  }
0x82: {  	_ =	shalt  }
0x83: {  	_ =	shalt  }
0x84: {  	_ =	shalt  }
0x85: {  	_ =	shalt  }
0x86: {  	_ =	shalt  }
0x87: {  	_ =	shalt  }
.Lfunc_end0:
.L_simem_size_0:
called_computation.1_lowered:
.L_overlay_start_0:
0x88: {  	s2 =	sld [smem:$0x3FD9]  }
0x89: {  	s3 =	sld [smem:$0x3FFE];
	_ =	sdelay $0x1  }
0x8a: {  	s1 =	srdreg.scid  }
0x8b: {  	s0 =	sand.u32 $0x1, s1  }
0x8c: {  	s17 =	sshll.u32 s0, $0xA;
	s2 =	sadd.s32 s3, s2  }
0x8d: {  	s2 =	sadd.s32 s2, s17  }
0x8e: {  	[smem:$0x3FC2] =	sst s2  }
0x8f: {  	_ = 	snop  }
0x90: {  	s2 =	sld [smem:$0x3FD0];
	(tm) =	ssettm $0x1  }
0x91: {  	s18 =	sld [smem:$0x3FFB];
	_ =	sdelay $0x3  }
0x92: {  	_ =	strace s18  }
0x93: {  	s3 =	sld [smem:$0x3FFC];
	_ =	sdelay $0x3  }
0x94: {  	_ =	strace s3  }
0x95: {  	s3 =	sld [smem:$0x3FFD];
	_ =	sdelay $0x3  }
0x96: {  	_ =	strace s3  }
0x97: {  	_ =	strace $0x8FFFFFFF  }
0x98: {  	s19 =	sld [smem:$0x3FDB];
	_ =	sdelay $0x1  }
0x99: {  	s4 =	simm.s32 $_scs_section_size  }
0x9a: {  	s5 =	simm.s32 $_size__tile_overlayer_lowered;
	s6 =	simm.s32 $_tile_overlayer_lowered  }
0x9b: {  	s22 =	simm.s32 $0x1BFF;
	s21 =	sshll.u32 s6, $0x1;
	s3 =	sadd.s32 s4, s19  }
0x9c: {  	s7 =	simm.s32 $0x0;
	s20 =	sshll.u32 s5, $0x1;
	s5 =	sadd.s32 s21, s3  }
0x9d: {  	[timem:s7], [sflag:s22] =	dma.local [hbm:s5], s20  }
0x9e: {  	_ =	swait.ge [sflag:s22], s20  }
0x9f: {  	s4 =	ssub.s32 $0x0, s20;
	[sflag:s22] =	ssyncset.done $0x0  }
0xa0: {  	[sflag:s22] =	ssyncadd.s32 s4;
	_ =	sdelay $0x1  }
0xa1: {  	s23 =	simm.s32 $0x1B8B  }
0xa2: {  	_ =	swait.ge [sflag:s23], $0x1  }
0xa3: {  	[sflag:s23] =	ssyncset.done $0x0  }
0xa4: {  	s25 =	simm.s32 $0x1B8E;
	s24 =	sld [smem:$0x3FFE];
	[sflag:s23] =	ssyncadd.s32 $0xFFFFFFFF  }
0xa5: {  	s26 =	simm.s32 $execute0_lowered;
	[smem:$0x3FD2] =	sst s25  }
0xa6: {  	s5 =	sshll.u32 s26, $0x1;
	_ =	strace $0x80000049;
	[dreg:$0x1] =	wrdreg $0xFFFFFFFF  }
0xa7: {  	s28 =	simm.s32 $_size_execute0_lowered;
	s3 =	sadd.s32 s3, s5;
	[dreg:$0x0] =	wrdreg $0x0  }
0xa8: {  	s5 =	sshll.u32 s28, $0x1;
	[dreg:$0x2] =	wrdreg s3  }
0xa9: {  	[dreg:$0x3] =	wrdreg s5  }
0xaa: {  	[dreg:$0x4] =	wrdreg $0xC0  }
0xab: {  	_ =	task [dreg:s7], $0x5FFFF  }
0xac: {  	[dreg:$0x1] =	wrdreg $0xFFFFFFFF  }
0xad: {  	[dreg:$0x0] =	wrdreg $0x60  }
0xae: {  	[dreg:$0x2] =	wrdreg s2  }
0xaf: {  	[dreg:$0x3] =	wrdreg s24  }
0xb0: {  	[dreg:$0x4] =	wrdreg $0xA8000  }
0xb1: {  	[dreg:$0x5] =	wrdreg $0x9  }
0xb2: {  	_ =	task.clear_ibuf [dreg:s7], $0x6FFFF;
	_ =	strace $0x90000049  }
0xb3: {  	s29 =	simm.s32 $0x9;
	_ =	strace $0x8000004B  }
0xb4: {  	_ =	swait.ge [sflag:s29], $0x1  }
0xb5: {  	[sflag:s29] =	ssyncadd.s32 $0xFFFFFFFF  }
0xb6: {  	_ =	strace $0x9000004B  }
0xb7: {  	_ =	sfence  }
0xb8: {  	s30 =	sld [smem:$0x0];
	_ =	sdelay $0x2  }
0xb9: {  	s31 =	sshll.u32 s1, $0xD;
	s1 =	sshrl.u32 s1, $0x2  }
0xba: {  	s3 =	sand.u32 $0x4000, s31;
	s1 =	sadd.s32 s1, s30  }
0xbb: {  	s0 =	sor.u32 s3, s0;
	s1 =	sshll.u32 s1, $0x11  }
0xbc: {  	s0 =	sor.u32 s1, s0  }
0xbd: {  	s0 =	sadd.s32 $0x8F2B, s0  }
0xbe: {  	[sflag:s0] =	ssyncadd.remote.s32 $0x1  }
0xbf: {  	_ =	sfence.sel $0xFFFF  }
0xc0: {  	[dreg:$0x0] =	wrdreg $0xFFFFFFFF;
	(pc) =	sbr.abs _section_cstart, $3  }
0xc1: {  	[dreg:$0x1] =	wrdreg $0xFFFFFFFF  }
0xc2: {  	_ =	task.clear_ibuf [dreg:s7], $0x2FFFF;
	_ =	strace $0x9FFFFFFF  }
0xc3: {  	(tm) =	ssettm $0x7FFFFFFF  }
tec
execute0_lowered:
.L_overlay_start_1:
0x0: {  	(tag) =	ssettag $0x1  }
0x1: {  	s1 =	rddreg [dreg:$0x0]  }
0x2: {  	s6 =	rddreg [dreg:$0x1]  }
0x3: {  	s2 =	rddreg [dreg:$0x2]  }
0x4: {  	s3 =	srdreg.scid;
	s4 =	simm.s32 $0x0;
	s0 =	stileid.u32  }
0x5: {  	s19 =	simm.s32 $0x1400;
	s20 =	simm.s32 $0x80;
	s21 =	simm.s32 $0x2800  }
0x6: {  	s22 =	simm.s32 $0x6800;
	s28 =	simm.s32 $0x2780;
	s29 =	simm.s32 $0x0  }
0x7: {  	s7 =	sand.u32 $0x1, s3;
	[smem:$0x7FF] =	sst s4;
	s8 =	smul.u32 $0x14000, s0  }
0x8: {  	s11 =	sadd.s32 $0xC400, s6;
	s12 =	sadd.s32 $0x1E00, s6;
	s10 =	smul.u32 $0x50000, s0  }
0x9: {  	s30 =	sshll.u32 s0, $0x6;
	s5 =	smul.u32 $0x140000, s7;
	s9 =	ssub.s32 $0x2, s7  }
0xa: {  	_ =	strace $0x8000004A;
	s24 =	sshll.u32 s7, $0x4;
	s23 =	sshrl.u32 s9, $0x1  }
0xb: {  	s25 =	sshrl.u32 s10, $0x2;
	s26 =	sor.u32 s0, s24;
	s24 =	simm.s32 $0x2  }
0xc: {  	s5 =	sadd.s32 s8, s5;
	s9 =	ssub.s32 s9, s23;
	s13 =	sadd.s32 s25, s2  }
0xd: {  	s10 =	smul.u32 $0x2800, s26;
	s23 =	simm.s32 $0x1;
	s25 =	simm.s32 $0x1380  }
0xe: {  	s26 =	simm.s32 $0x2700;
	s8 =	sshrl.u32 s5, $0x3;
	s5 =	sadd.s32 $0x66400, s6  }
0xf: {  	s15 =	sadd.s32 $0x4000, s13;
	s16 =	sadd.s32 $0x8000, s13;
	s17 =	sadd.s32 $0xC000, s13  }
0x10: {  	s18 =	sadd.s32 $0x10000, s13;
	s13 =	sshrl.u32 s13, $0x3;
	s8 =	sadd.s32 s8, s6  }
0x11: {  	s6 =	sor.u32 $0x1C03, s30;
	s14 =	sshrl.u32 s10, $0x3;
	s15 =	sshrl.u32 s15, $0x3  }
0x12: {  	s16 =	sshrl.u32 s16, $0x3;
	s17 =	sshrl.u32 s17, $0x3;
	s18 =	sshrl.u32 s18, $0x3  }
0x13: {  	s31 =	sadd.s32 $0x66C00, s8;
	s8 =	smax.u32 s9, $0x1;
	s9 =	sadd.s32 s11, s14  }
0x14: {  	s10 =	sadd.s32 s12, s14;
	s14 =	sadd.s32 $0x280, s14;
	[dreg:$0x4] =	wrdreg s31  }
0x15: {  	s11 =	sadd.s32 s11, s14;
	s12 =	sadd.s32 s12, s14;
	s14 =	simm.s32 $0x3  }
.LBB2_1:
0x16: {  	[spmem:s13], [sflag:s6] =	dma.local [hbm:s5], $0x800  }
0x17: {  	_ =	swait.ge [sflag:s14], $0x800  }
0x18: {  	[sflag:s14] =	ssyncset.done $0x0  }
0x19: {  	[sflag:s14] =	ssyncadd.s32 $0xFFFFF800  }
0x1a: {  	[spmem:s15], [sflag:s6] =	dma.local [hbm:s5], $0x800  }
0x1b: {  	_ =	swait.ge [sflag:s14], $0x800  }
0x1c: {  	[sflag:s14] =	ssyncset.done $0x0  }
0x1d: {  	[sflag:s14] =	ssyncadd.s32 $0xFFFFF800  }
0x1e: {  	[spmem:s16], [sflag:s6] =	dma.local [hbm:s5], $0x800  }
0x1f: {  	_ =	swait.ge [sflag:s14], $0x800  }
0x20: {  	[sflag:s14] =	ssyncset.done $0x0  }
0x21: {  	[sflag:s14] =	ssyncadd.s32 $0xFFFFF800  }
0x22: {  	[spmem:s17], [sflag:s6] =	dma.local [hbm:s5], $0x800  }
0x23: {  	_ =	swait.ge [sflag:s14], $0x800  }
0x24: {  	[sflag:s14] =	ssyncset.done $0x0  }
0x25: {  	[sflag:s14] =	ssyncadd.s32 $0xFFFFF800  }
0x26: {  	[spmem:s18], [sflag:s6] =	dma.local [hbm:s5], $0x800  }
0x27: {  	_ =	swait.ge [sflag:s14], $0x800  }
0x28: {  	[sflag:s14] =	ssyncset.done $0x0  }
0x29: {  	[sflag:s14] =	ssyncadd.s32 $0xFFFFF800  }
0x2a: {  	[bflag:$0x0] =	sbarrier.arrive $0xFFFF  }
0x2b: {  	[tilespmem:s4], [sflag:$0x3] =	stream.linear.gather [hbm4b:s9+s4], $0x1400, $0x38;
	[tilespmem:$0x1E800] =	vst v63  }
0x2c: {  	_ =	swait.ge [sflag:s14], $0x1400  }
0x2d: {  	[sflag:s14] =	ssyncset.done $0x0  }
0x2e: {  	[sflag:s14] =	ssyncadd.s32 $0xFFFFEC00  }
0x2f: {  	[tilespmem:s19], [sflag:$0x3] =	stream.linear.gather [hbm4b:s10+s4], $0x1400, $0x38;
	[tilespmem:$0x1E800] =	vst v63  }
0x30: {  	_ =	swait.ge [sflag:s14], $0x1400  }
0x31: {  	[sflag:s14] =	ssyncset.done $0x0  }
0x32: {  	[sflag:s14] =	ssyncadd.s32 $0xFFFFEC00  }
0x33: {  	[tilespmem:s21], [sflag:$0x1] =	stream.indirect.gather [hbm4b:s1+s20], $0x80, s4, s20, $0xb8;
	[tilespmem:$0x1E800] =	vst v63  }
0x34: {  	s30 =	simm.s32 $0x80  }
0x35: {  	[tilespmem:s22], [sflag:$0x2] =	stream.indirect.gather [hbm4b:s1+s20], $0x80, s30, s20, $0xb8;
	[tilespmem:$0x1E800] =	vst v63  }
0x36: {  	_ =	swait.ge [sflag:s23], $0x4000  }
0x37: {  	[sflag:s23] =	ssyncset.done $0x0  }
0x38: {  	s30 =	simm.s32 $0x1400;
	[sflag:s23] =	ssyncadd.s32 $0xFFFFC000  }
0x39: {  	[spmem:s2] =	stream.indirect.scatter.add.f32 [tilespmem:s21], [sflag:$0x3], $0x80, s30, s20, $0xb8;
	[tilespmem:$0x1E800] =	vst v63  }
0x3a: {  	_ =	swait.ge [sflag:s14], $0x4000  }
0x3b: {  	[sflag:s14] =	ssyncset.done $0x0  }
0x3c: {  	s30 =	simm.s32 $0x100;
	[sflag:s14] =	ssyncadd.s32 $0xFFFFC000  }
0x3d: {  	[tilespmem:s21], [sflag:$0x1] =	stream.indirect.gather [hbm4b:s1+s20], $0x80, s30, s20, $0xb8;
	[tilespmem:$0x1E800] =	vst v63  }
0x3e: {  	_ =	swait.ge [sflag:s24], $0x4000  }
0x3f: {  	[sflag:s24] =	ssyncset.done $0x0  }
0x40: {  	s30 =	simm.s32 $0x1480;
	[sflag:s24] =	ssyncadd.s32 $0xFFFFC000  }
0x41: {  	[spmem:s2] =	stream.indirect.scatter.add.f32 [tilespmem:s22], [sflag:$0x3], $0x80, s30, s20, $0xb8;
	[tilespmem:$0x1E800] =	vst v63  }
0x42: {  	_ =	swait.ge [sflag:s14], $0x4000  }
0x43: {  	s31 =	simm.s32 $0x800;
	s30 =	simm.s32 $0x100;
	[sflag:s14] =	ssyncset.done $0x0  }
.LBB2_2:
0x44: {  	s0 =	sadd.s32 $0x80, s30  }
0x45: {  	[sflag:s14] =	ssyncadd.s32 $0xFFFFC000;
	s3 =	smov.u32 s31;
	s7 =	sadd.s32 $0x400, s31  }
0x46: {  	[tilespmem:s22], [sflag:$0x2] =	stream.indirect.gather [hbm4b:s1+s20], $0x80, s0, s20, $0xb8;
	[tilespmem:$0x1E800] =	vst v63  }
0x47: {  	p0 =	sne.s32 s31, $0x4800;
	_ =	swait.ge [sflag:s23], $0x4000  }
0x48: {  	[sflag:s23] =	ssyncset.done $0x0  }
0x49: {  	s0 =	sadd.s32 $0x1400, s30;
	[sflag:s23] =	ssyncadd.s32 $0xFFFFC000  }
0x4a: {  	[spmem:s2] =	stream.indirect.scatter.add.f32 [tilespmem:s21], [sflag:$0x3], $0x80, s0, s20, $0xb8;
	[tilespmem:$0x1E800] =	vst v63  }
0x4b: {  	_ =	swait.ge [sflag:s14], $0x4000  }
0x4c: {  	[sflag:s14] =	ssyncset.done $0x0  }
0x4d: {  	s0 =	sadd.s32 $0x100, s30;
	[sflag:s14] =	ssyncadd.s32 $0xFFFFC000  }
0x4e: {  	[tilespmem:s21], [sflag:$0x1] =	stream.indirect.gather [hbm4b:s1+s20], $0x80, s0, s20, $0xb8;
	[tilespmem:$0x1E800] =	vst v63  }
0x4f: {  	_ =	swait.ge [sflag:s24], $0x4000  }
.Ltmp0:
0x50: {  	[sflag:s24] =	ssyncset.done $0x0;
	(pc) =	sbr.rel @p0 .LBB2_2-.Ltmp0, $4  }
0x51: {  	s0 =	sadd.s32 $0x1480, s30;
	[sflag:s24] =	ssyncadd.s32 $0xFFFFC000  }
0x52: {  	[spmem:s2] =	stream.indirect.scatter.add.f32 [tilespmem:s22], [sflag:$0x3], $0x80, s0, s20, $0xb8;
	[tilespmem:$0x1E800] =	vst v63  }
0x53: {  	_ =	swait.ge [sflag:s14], $0x4000  }
0x54: {  	s31 =	smov.u32 s7;
	s30 =	sshra.s32 s3, $0x2;
	[sflag:s14] =	ssyncset.done $0x0  }
0x55: {  	s0 =	sadd.s32 $0x80, s30;
	[sflag:s14] =	ssyncadd.s32 $0xFFFFC000  }
0x56: {  	[tilespmem:s22], [sflag:$0x2] =	stream.indirect.gather [hbm4b:s1+s20], $0x80, s0, s20, $0xb8;
	[tilespmem:$0x1E800] =	vst v63  }
0x57: {  	_ =	swait.ge [sflag:s23], $0x4000  }
0x58: {  	[sflag:s23] =	ssyncset.done $0x0  }
0x59: {  	s3 =	sadd.s32 $0x1400, s30;
	[sflag:s23] =	ssyncadd.s32 $0xFFFFC000  }
0x5a: {  	[spmem:s2] =	stream.indirect.scatter.add.f32 [tilespmem:s21], [sflag:$0x3], $0x80, s3, s20, $0xb8;
	[tilespmem:$0x1E800] =	vst v63  }
0x5b: {  	_ =	swait.ge [sflag:s14], $0x4000  }
0x5c: {  	[sflag:s14] =	ssyncset.done $0x0  }
0x5d: {  	s7 =	sadd.s32 $0x100, s30;
	[sflag:s14] =	ssyncadd.s32 $0xFFFFC000  }
0x5e: {  	[tilespmem:s21], [sflag:$0x1] =	stream.indirect.gather [hbm4b:s1+s20], $0x80, s7, s20, $0xb8;
	[tilespmem:$0x1E800] =	vst v63  }
0x5f: {  	_ =	swait.ge [sflag:s24], $0x4000  }
0x60: {  	[sflag:s24] =	ssyncset.done $0x0  }
0x61: {  	s3 =	sadd.s32 $0x1480, s30;
	[sflag:s24] =	ssyncadd.s32 $0xFFFFC000  }
0x62: {  	[spmem:s2] =	stream.indirect.scatter.add.f32 [tilespmem:s22], [sflag:$0x3], $0x80, s3, s20, $0xb8;
	[tilespmem:$0x1E800] =	vst v63  }
0x63: {  	_ =	swait.ge [sflag:s14], $0x4000  }
0x64: {  	[sflag:s14] =	ssyncset.done $0x0  }
0x65: {  	[sflag:s14] =	ssyncadd.s32 $0xFFFFC000  }
0x66: {  	[tilespmem:s22], [sflag:$0x2] =	stream.indirect.gather [hbm4b:s1+s20], $0x80, s25, s20, $0xb8;
	[tilespmem:$0x1E800] =	vst v63  }
0x67: {  	_ =	swait.ge [sflag:s23], $0x4000  }
0x68: {  	[sflag:s23] =	ssyncset.done $0x0  }
0x69: {  	[sflag:s23] =	ssyncadd.s32 $0xFFFFC000  }
0x6a: {  	[spmem:s2] =	stream.indirect.scatter.add.f32 [tilespmem:s21], [sflag:$0x3], $0x80, s26, s20, $0xb8;
	[tilespmem:$0x1E800] =	vst v63  }
0x6b: {  	_ =	swait.ge [sflag:s14], $0x4000  }
0x6c: {  	[sflag:s14] =	ssyncset.done $0x0  }
0x6d: {  	[sflag:s14] =	ssyncadd.s32 $0xFFFFC000  }
0x6e: {  	_ =	swait.ge [sflag:s24], $0x4000  }
0x6f: {  	[sflag:s24] =	ssyncset.done $0x0  }
0x70: {  	[sflag:s24] =	ssyncadd.s32 $0xFFFFC000  }
0x71: {  	[spmem:s2] =	stream.indirect.scatter.add.f32 [tilespmem:s22], [sflag:$0x3], $0x80, s28, s20, $0xb8;
	[tilespmem:$0x1E800] =	vst v63  }
0x72: {  	_ =	swait.ge [sflag:s14], $0x4000  }
0x73: {  	[sflag:s14] =	ssyncset.done $0x0  }
0x74: {  	s7 =	simm.s32 $0x0;
	[sflag:s14] =	ssyncadd.s32 $0xFFFFC000  }
0x75: {  	[tilespmem:s7], [sflag:$0x3] =	stream.linear.gather [hbm4b:s11+s7], $0x1400, $0x38;
	[tilespmem:$0x1E800] =	vst v63  }
0x76: {  	_ =	swait.ge [sflag:s14], $0x1400  }
0x77: {  	[sflag:s14] =	ssyncset.done $0x0  }
0x78: {  	[sflag:s14] =	ssyncadd.s32 $0xFFFFEC00  }
0x79: {  	[tilespmem:s19], [sflag:$0x3] =	stream.linear.gather [hbm4b:s12+s7], $0x1400, $0x38;
	[tilespmem:$0x1E800] =	vst v63  }
0x7a: {  	_ =	swait.ge [sflag:s14], $0x1400  }
0x7b: {  	[sflag:s14] =	ssyncset.done $0x0  }
0x7c: {  	[sflag:s14] =	ssyncadd.s32 $0xFFFFEC00  }
0x7d: {  	[tilespmem:s21], [sflag:$0x1] =	stream.indirect.gather [hbm4b:s1+s20], $0x80, s7, s20, $0xb8;
	[tilespmem:$0x1E800] =	vst v63  }
0x7e: {  	s3 =	simm.s32 $0x80  }
0x7f: {  	[tilespmem:s22], [sflag:$0x2] =	stream.indirect.gather [hbm4b:s1+s20], $0x80, s3, s20, $0xb8;
	[tilespmem:$0x1E800] =	vst v63  }
0x80: {  	_ =	swait.ge [sflag:s23], $0x4000  }
0x81: {  	[sflag:s23] =	ssyncset.done $0x0  }
0x82: {  	s7 =	simm.s32 $0x1400;
	[sflag:s23] =	ssyncadd.s32 $0xFFFFC000  }
0x83: {  	[spmem:s2] =	stream.indirect.scatter.add.f32 [tilespmem:s21], [sflag:$0x3], $0x80, s7, s20, $0xb8;
	[tilespmem:$0x1E800] =	vst v63  }
0x84: {  	_ =	swait.ge [sflag:s14], $0x4000  }
0x85: {  	[sflag:s14] =	ssyncset.done $0x0  }
0x86: {  	s3 =	simm.s32 $0x100;
	[sflag:s14] =	ssyncadd.s32 $0xFFFFC000  }
0x87: {  	[tilespmem:s21], [sflag:$0x1] =	stream.indirect.gather [hbm4b:s1+s20], $0x80, s3, s20, $0xb8;
	[tilespmem:$0x1E800] =	vst v63  }
0x88: {  	_ =	swait.ge [sflag:s24], $0x4000  }
0x89: {  	[sflag:s24] =	ssyncset.done $0x0  }
0x8a: {  	s7 =	simm.s32 $0x1480;
	[sflag:s24] =	ssyncadd.s32 $0xFFFFC000  }
0x8b: {  	[spmem:s2] =	stream.indirect.scatter.add.f32 [tilespmem:s22], [sflag:$0x3], $0x80, s7, s20, $0xb8;
	[tilespmem:$0x1E800] =	vst v63  }
0x8c: {  	_ =	swait.ge [sflag:s14], $0x4000  }
0x8d: {  	s31 =	simm.s32 $0x800;
	s30 =	simm.s32 $0x100;
	[sflag:s14] =	ssyncset.done $0x0  }
.LBB2_4:
0x8e: {  	s0 =	sadd.s32 $0x80, s30  }
0x8f: {  	[sflag:s14] =	ssyncadd.s32 $0xFFFFC000;
	s3 =	smov.u32 s31;
	s7 =	sadd.s32 $0x400, s31  }
0x90: {  	[tilespmem:s22], [sflag:$0x2] =	stream.indirect.gather [hbm4b:s1+s20], $0x80, s0, s20, $0xb8;
	[tilespmem:$0x1E800] =	vst v63  }
0x91: {  	p0 =	sne.s32 s31, $0x4800;
	_ =	swait.ge [sflag:s23], $0x4000  }
0x92: {  	[sflag:s23] =	ssyncset.done $0x0  }
0x93: {  	s0 =	sadd.s32 $0x1400, s30;
	[sflag:s23] =	ssyncadd.s32 $0xFFFFC000  }
0x94: {  	[spmem:s2] =	stream.indirect.scatter.add.f32 [tilespmem:s21], [sflag:$0x3], $0x80, s0, s20, $0xb8;
	[tilespmem:$0x1E800] =	vst v63  }
0x95: {  	_ =	swait.ge [sflag:s14], $0x4000  }
0x96: {  	[sflag:s14] =	ssyncset.done $0x0  }
0x97: {  	s0 =	sadd.s32 $0x100, s30;
	[sflag:s14] =	ssyncadd.s32 $0xFFFFC000  }
0x98: {  	[tilespmem:s21], [sflag:$0x1] =	stream.indirect.gather [hbm4b:s1+s20], $0x80, s0, s20, $0xb8;
	[tilespmem:$0x1E800] =	vst v63  }
0x99: {  	_ =	swait.ge [sflag:s24], $0x4000  }
.Ltmp1:
0x9a: {  	[sflag:s24] =	ssyncset.done $0x0;
	(pc) =	sbr.rel @p0 .LBB2_4-.Ltmp1, $4  }
0x9b: {  	s0 =	sadd.s32 $0x1480, s30;
	[sflag:s24] =	ssyncadd.s32 $0xFFFFC000  }
0x9c: {  	[spmem:s2] =	stream.indirect.scatter.add.f32 [tilespmem:s22], [sflag:$0x3], $0x80, s0, s20, $0xb8;
	[tilespmem:$0x1E800] =	vst v63  }
0x9d: {  	_ =	swait.ge [sflag:s14], $0x4000  }
0x9e: {  	s31 =	smov.u32 s7;
	s30 =	sshra.s32 s3, $0x2;
	[sflag:s14] =	ssyncset.done $0x0  }
0x9f: {  	s0 =	sadd.s32 $0x80, s30;
	[sflag:s14] =	ssyncadd.s32 $0xFFFFC000  }
0xa0: {  	[tilespmem:s22], [sflag:$0x2] =	stream.indirect.gather [hbm4b:s1+s20], $0x80, s0, s20, $0xb8;
	[tilespmem:$0x1E800] =	vst v63  }
0xa1: {  	_ =	swait.ge [sflag:s23], $0x4000  }
0xa2: {  	[sflag:s23] =	ssyncset.done $0x0  }
0xa3: {  	s3 =	sadd.s32 $0x1400, s30;
	[sflag:s23] =	ssyncadd.s32 $0xFFFFC000  }
0xa4: {  	[spmem:s2] =	stream.indirect.scatter.add.f32 [tilespmem:s21], [sflag:$0x3], $0x80, s3, s20, $0xb8;
	[tilespmem:$0x1E800] =	vst v63  }
0xa5: {  	_ =	swait.ge [sflag:s14], $0x4000  }
0xa6: {  	[sflag:s14] =	ssyncset.done $0x0  }
0xa7: {  	s7 =	sadd.s32 $0x100, s30;
	[sflag:s14] =	ssyncadd.s32 $0xFFFFC000  }
0xa8: {  	[tilespmem:s21], [sflag:$0x1] =	stream.indirect.gather [hbm4b:s1+s20], $0x80, s7, s20, $0xb8;
	[tilespmem:$0x1E800] =	vst v63  }
0xa9: {  	_ =	swait.ge [sflag:s24], $0x4000  }
0xaa: {  	[sflag:s24] =	ssyncset.done $0x0  }
0xab: {  	s30 =	sadd.s32 $0x1480, s30;
	[sflag:s24] =	ssyncadd.s32 $0xFFFFC000  }
0xac: {  	[spmem:s2] =	stream.indirect.scatter.add.f32 [tilespmem:s22], [sflag:$0x3], $0x80, s30, s20, $0xb8;
	[tilespmem:$0x1E800] =	vst v63  }
0xad: {  	_ =	swait.ge [sflag:s14], $0x4000  }
0xae: {  	[sflag:s14] =	ssyncset.done $0x0  }
0xaf: {  	[sflag:s14] =	ssyncadd.s32 $0xFFFFC000  }
0xb0: {  	[tilespmem:s22], [sflag:$0x2] =	stream.indirect.gather [hbm4b:s1+s20], $0x80, s25, s20, $0xb8;
	[tilespmem:$0x1E800] =	vst v63  }
0xb1: {  	_ =	swait.ge [sflag:s23], $0x4000  }
0xb2: {  	[sflag:s23] =	ssyncset.done $0x0  }
0xb3: {  	[sflag:s23] =	ssyncadd.s32 $0xFFFFC000  }
0xb4: {  	[spmem:s2] =	stream.indirect.scatter.add.f32 [tilespmem:s21], [sflag:$0x3], $0x80, s26, s20, $0xb8;
	[tilespmem:$0x1E800] =	vst v63  }
0xb5: {  	_ =	swait.ge [sflag:s14], $0x4000  }
0xb6: {  	[sflag:s14] =	ssyncset.done $0x0  }
0xb7: {  	[sflag:s14] =	ssyncadd.s32 $0xFFFFC000  }
0xb8: {  	_ =	swait.ge [sflag:s24], $0x4000  }
0xb9: {  	[sflag:s24] =	ssyncset.done $0x0  }
0xba: {  	[sflag:s24] =	ssyncadd.s32 $0xFFFFC000  }
0xbb: {  	[spmem:s2] =	stream.indirect.scatter.add.f32 [tilespmem:s22], [sflag:$0x3], $0x80, s28, s20, $0xb8;
	[tilespmem:$0x1E800] =	vst v63  }
0xbc: {  	_ =	swait.ge [sflag:s14], $0x4000  }
0xbd: {  	[sflag:s14] =	ssyncset.done $0x0  }
0xbe: {  	s29 =	sadd.s32 $0x1, s29;
	[sflag:s14] =	ssyncadd.s32 $0xFFFFC000  }
0xbf: {  	p0 =	sne.s32 s29, s8;
	[bflag:$0x0] =	sbarrier.arrive $0xFFFF  }
.Ltmp2:
0xc0: {  	s31 =	rddreg [dreg:$0x4];
	(pc) =	sbr.rel @p0 .LBB2_1-.Ltmp2, $4  }
0xc1: {  	[hbm:s31], [sflag:s6] =	dma.local [spmem:s13], $0x2800  }
0xc2: {  	_ =	swait.ge [sflag:s14], $0x2800  }
0xc3: {  	[sflag:s14] =	ssyncset.done $0x0  }
0xc4: {  	[sflag:s14] =	ssyncadd.s32 $0xFFFFD800  }
0xc5: {  	_ =	sfence.sel $0x180000  }
0xc6: {  	[bflag:$0x0] =	sbarrier.arrive $0xFFFF  }
0xc7: {  	_ =	strace $0x9000004A  }
0xc8: {  	s0 =	stileid.u32;
	[bflag:$0x2] =	sbarrier.arrive $0xFFFF  }
0xc9: {  	p0 =	sne.s32 s0, $0x0;
	s0 =	rddreg [dreg:$0x3]  }
0xca: {  	s0 =	sadd.s32 @!p0 $0x100000, s0  }
0xcb: {  	[sflag:s0] =	ssyncadd.tile.s32 @!p0 $0x1;
	_ =	shalt  }
.Lfunc_end2:
_tile_overlayer_lowered:
.L_overlay_start_2:
0xcc: {  	(tag) =	ssettag $0x2  }
0xcd: {  	s0 =	rddreg [dreg:$0x0];
	s2 =	stileid.u32  }
0xce: {  	s1 =	rddreg [dreg:$0x1];
	p0 =	sne.s32 s2, $0x0  }
0xcf: {  	s3 =	rddreg [dreg:$0x2];
	[bflag:$0x3] =	sbarrier.arrive $0xFFFF;
	s2 =	simm.s32 @!p0 $0x1C03  }
0xd0: {  	[timem:s3], [sflag:s2] =	dma.local @!p0 [hbm:s0], s1  }
0xd1: {  	s0 =	simm.s32 @!p0 $0x3  }
0xd2: {  	_ =	swait.ge @!p0 [sflag:s0], s1  }
0xd3: {  	s1 =	ssub.s32 @!p0 $0x0, s1;
	[sflag:s0] =	ssyncset.done @!p0 $0x0  }
0xd4: {  	[sflag:s0] =	ssyncadd.s32 @!p0 s1  }
0xd5: {  	[bflag:$0x3] =	sbarrier.arrive $0xFFFF  }
0xd6: {  	_ =	shalt  }

</sc_bundles>
